<compile_context>
chip_gen: v7x
topology: tpu7x:2x2x1
jax: 0.10.2.dev20260603
libtpu: 0.0.44.dev20260713+nightly
codegen_flags: <defaults>
</compile_context>

<pallas_src>
import functools

import jax
import jax.numpy as jnp
from jax import lax
from jax.experimental import pallas as pl
from jax.experimental.pallas import tpu as pltpu
from jax.experimental.pallas import tpu_sc as plsc

NC = 2
NS = 16
L = 16
NW = NC * NS
NROWS = 32768
NCOLS = 1024

SC_ROWS = 12288
ROWS_PER_W = SC_ROWS // NW
CHUNK_R = 32
NCHUNK = ROWS_PER_W // CHUNK_R
NACC = 8

TC_ROWS = NROWS - SC_ROWS
BR = 256
NSTREAM = 4
SC_BLOCKS = SC_ROWS // BR
TC_STEPS = TC_ROWS // (BR * NSTREAM)


def _sc_body(x_hbm, out_hbm, buf0, buf1, accv, sem0, sem1):
    wid = lax.axis_index("s") * NC + lax.axis_index("c")
    row0 = wid * ROWS_PER_W
    bufs = (buf0, buf1)
    sems = (sem0, sem1)

    def copy(c, b):
        return pltpu.make_async_copy(
            x_hbm.at[pl.ds(row0 + c * CHUNK_R, CHUNK_R), :], bufs[b], sems[b])

    copy(0, 0).start()
    copy(1, 1).start()

    def sum_buf(buf, accs):
        def row_step(r, accs):
            new = list(accs)
            for u in range(NCOLS // L):
                v = buf[r, pl.ds(u * L, L)]
                new[u % NACC] = new[u % NACC] + jnp.maximum(v, 0.0)
            return tuple(new)
        return lax.fori_loop(0, CHUNK_R, row_step, accs)

    def body(c2, accs):
        c = c2 * 2
        copy(c, 0).wait()
        accs = sum_buf(buf0, accs)

        @pl.when(c2 < NCHUNK // 2 - 1)
        def _():
            copy(c + 2, 0).start()

        copy(c + 1, 1).wait()
        accs = sum_buf(buf1, accs)

        @pl.when(c2 < NCHUNK // 2 - 1)
        def _():
            copy(c + 3, 1).start()

        return accs

    accs = lax.fori_loop(
        0, NCHUNK // 2, body,
        tuple(jnp.zeros((L,), jnp.float32) for _ in range(NACC)))

    total = accs[0]
    for a in accs[1:]:
        total = total + a
    accv[...] = total
    pltpu.sync_copy(accv, out_hbm.at[pl.ds(wid * L, L)])


def _tc_body(*refs):
    x_refs = refs[:NSTREAM]
    out_ref, acc_ref = refs[NSTREAM], refs[NSTREAM + 1]
    i = pl.program_id(0)

    @pl.when(i == 0)
    def _():
        acc_ref[...] = jnp.zeros_like(acc_ref)

    acc = acc_ref[...]
    for x_ref in x_refs:
        for k in range(BR // 8):
            acc = acc + jnp.maximum(x_ref[pl.ds(8 * k, 8), :], 0.0)
    acc_ref[...] = acc

    @pl.when(i == pl.num_programs(0) - 1)
    def _():
        out_ref[0, 0] = jnp.sum(acc_ref[...])


def _sc_call(x):
    return pl.kernel(
        _sc_body,
        out_type=jax.ShapeDtypeStruct((NW * L,), jnp.float32),
        mesh=plsc.VectorSubcoreMesh(core_axis_name="c", subcore_axis_name="s"),
        scratch_types=[
            pltpu.VMEM((CHUNK_R, NCOLS), jnp.float32),
            pltpu.VMEM((CHUNK_R, NCOLS), jnp.float32),
            pltpu.VMEM((L,), jnp.float32),
            pltpu.SemaphoreType.DMA,
            pltpu.SemaphoreType.DMA,
        ],
        compiler_params=pltpu.CompilerParams(use_tc_tiling_on_sc=True),
    )(x)


def _tc_call(x):
    def make_index_map(j):
        return lambda i: (SC_BLOCKS + j * TC_STEPS + i, 0)

    return pl.pallas_call(
        _tc_body,
        grid=(TC_STEPS,),
        in_specs=[pl.BlockSpec((BR, NCOLS), make_index_map(j))
                  for j in range(NSTREAM)],
        out_specs=pl.BlockSpec(memory_space=pltpu.SMEM),
        out_shape=jax.ShapeDtypeStruct((1, 1), jnp.float32),
        scratch_shapes=[pltpu.VMEM((8, NCOLS), jnp.float32)],
    )(*([x] * NSTREAM))


def kernel(x):
    tc_sum = _tc_call(x)
    if SC_ROWS:
        sc_partials = _sc_call(x)
        return (jnp.sum(sc_partials) + tc_sum[0, 0])[None]
    return tc_sum[0, 0][None]

# --- scband reference (transcript-rebuilt; emitter-appended) ---
"""Pipeline reference for scband-dynamic-shape-3917010174191 (READ-ONLY COPY).

The authoritative reference and input builder live on the scoring server;
editing this copy changes nothing except your own understanding.
"""

import jax, jax.numpy as jnp
import numpy as np

def setup_inputs(seed: int = 0) -> dict:
    key = jax.random.key(seed)
    x = jax.random.normal(key, (32768, 1024), dtype=jnp.float32)
    return {"x": x}

def reference(x):
    # Faithful translation of: mask = x > 0; filtered = x[mask]; filtered.sum().unsqueeze(0)
    # Boolean-mask gather followed by sum == sum over masked elements.
    # In JAX (jit-friendly, static shape), this is exactly a masked sum.
    mask = x > 0
    s = jnp.sum(jnp.where(mask, x, jnp.zeros_like(x)))
    return s[None]

if __name__ == "__main__":
    import jax
    _d = setup_inputs()
    print(jax.jit(kernel)(*tuple(_d.values())))

</pallas_src>

<mosaic_0001>
#map = affine_map<(d0, d1) -> (0, 0)>
#map1 = affine_map<(d0, d1) -> (0)>
module attributes {stable_mosaic.version = 14 : i64} {
  func.func @_sc_body(%arg0: i32, %arg1: i32, %arg2: memref<32768x1024xf32, #tpu.memory_space<hbm>>, %arg3: memref<512xf32, #tpu.memory_space<hbm>>, %arg4: memref<32x1024xf32, #tpu.memory_space<vmem>>, %arg5: memref<32x1024xf32, #tpu.memory_space<vmem>>, %arg6: memref<16xf32, #tpu.memory_space<vmem>>, %arg7: memref<!tpu.dma_semaphore, #tpu.memory_space<semaphore_mem>>, %arg8: memref<!tpu.dma_semaphore, #tpu.memory_space<semaphore_mem>>) attributes {dimension_semantics = [#tpu.dimension_semantics<core_parallel>, #tpu.dimension_semantics<subcore_parallel>], iteration_bounds = array<i64: 2, 16>, scalar_prefetch = 0 : i64, scratch_operands = 5 : i64, tpu.core_type = #tpu.core_type<sc_vector_subcore>, window_params = [{transform_indices = #map}, {transform_indices = #map1}]} {
    %mul3A = arith.constant 2 : i32
    %mul3A_0 = arith.muli %arg1, %mul3A : i32
    %add3A = arith.addi %mul3A_0, %arg0 : i32
    %mul3A_1 = arith.constant 384 : i32
    %mul3A_2 = arith.muli %add3A, %mul3A_1 : i32
    %add3A_3 = arith.constant 0 : i32
    %add3A_4 = arith.addi %mul3A_2, %add3A_3 : i32
    %dma_start3A = arith.constant 0 : i32
    %dma_start3A_5 = tpu.memref_slice %arg2[%add3A_4, %dma_start3A] : memref<32768x1024xf32, #tpu.memory_space<hbm>> -> memref<32x1024xf32, #tpu.memory_space<hbm>>
    %dma_start3A_6 = arith.constant 0 : i32
    %dma_start3A_7 = tpu.memref_slice %arg2[%add3A_4, %dma_start3A_6] : memref<32768x1024xf32, #tpu.memory_space<hbm>> -> memref<32x1024xf32, #tpu.memory_space<hbm>>
    tpu.enqueue_dma source(%dma_start3A_7 : memref<32x1024xf32, #tpu.memory_space<hbm>>) target(%arg4 : memref<32x1024xf32, #tpu.memory_space<vmem>>) target_semaphore(%arg7 : memref<!tpu.dma_semaphore, #tpu.memory_space<semaphore_mem>>)
    %add3A_8 = arith.constant 32 : i32
    %add3A_9 = arith.addi %mul3A_2, %add3A_8 : i32
    %dma_start3A_10 = arith.constant 0 : i32
    %dma_start3A_11 = tpu.memref_slice %arg2[%add3A_9, %dma_start3A_10] : memref<32768x1024xf32, #tpu.memory_space<hbm>> -> memref<32x1024xf32, #tpu.memory_space<hbm>>
    %dma_start3A_12 = arith.constant 0 : i32
    %dma_start3A_13 = tpu.memref_slice %arg2[%add3A_9, %dma_start3A_12] : memref<32768x1024xf32, #tpu.memory_space<hbm>> -> memref<32x1024xf32, #tpu.memory_space<hbm>>
    tpu.enqueue_dma source(%dma_start3A_13 : memref<32x1024xf32, #tpu.memory_space<hbm>>) target(%arg5 : memref<32x1024xf32, #tpu.memory_space<vmem>>) target_semaphore(%arg8 : memref<!tpu.dma_semaphore, #tpu.memory_space<semaphore_mem>>)
    %broadcast_in_dim3A = arith.constant 0.000000e+00 : f32
    %broadcast_in_dim3A_14 = vector.broadcast %broadcast_in_dim3A : f32 to vector<16xf32>
    %broadcast_in_dim3A_15 = arith.constant 0.000000e+00 : f32
    %broadcast_in_dim3A_16 = vector.broadcast %broadcast_in_dim3A_15 : f32 to vector<16xf32>
    %broadcast_in_dim3A_17 = arith.constant 0.000000e+00 : f32
    %broadcast_in_dim3A_18 = vector.broadcast %broadcast_in_dim3A_17 : f32 to vector<16xf32>
    %broadcast_in_dim3A_19 = arith.constant 0.000000e+00 : f32
    %broadcast_in_dim3A_20 = vector.broadcast %broadcast_in_dim3A_19 : f32 to vector<16xf32>
    %broadcast_in_dim3A_21 = arith.constant 0.000000e+00 : f32
    %broadcast_in_dim3A_22 = vector.broadcast %broadcast_in_dim3A_21 : f32 to vector<16xf32>
    %broadcast_in_dim3A_23 = arith.constant 0.000000e+00 : f32
    %broadcast_in_dim3A_24 = vector.broadcast %broadcast_in_dim3A_23 : f32 to vector<16xf32>
    %broadcast_in_dim3A_25 = arith.constant 0.000000e+00 : f32
    %broadcast_in_dim3A_26 = vector.broadcast %broadcast_in_dim3A_25 : f32 to vector<16xf32>
    %broadcast_in_dim3A_27 = arith.constant 0.000000e+00 : f32
    %broadcast_in_dim3A_28 = vector.broadcast %broadcast_in_dim3A_27 : f32 to vector<16xf32>
    %scan3A = arith.constant 0 : i32
    %scan3A_29 = arith.constant 6 : i32
    %scan3A_30 = arith.addi %scan3A, %scan3A_29 : i32
    %scan3A_31 = arith.constant 1 : i32
    %scan3A_32:8 = scf.for %scan3A_46 = %scan3A to %scan3A_30 step %scan3A_31 iter_args(%scan3A_47 = %broadcast_in_dim3A_14, %scan3A_48 = %broadcast_in_dim3A_16, %scan3A_49 = %broadcast_in_dim3A_18, %scan3A_50 = %broadcast_in_dim3A_20, %scan3A_51 = %broadcast_in_dim3A_22, %scan3A_52 = %broadcast_in_dim3A_24, %scan3A_53 = %broadcast_in_dim3A_26, %scan3A_54 = %broadcast_in_dim3A_28) -> (vector<16xf32>, vector<16xf32>, vector<16xf32>, vector<16xf32>, vector<16xf32>, vector<16xf32>, vector<16xf32>, vector<16xf32>)  : i32 {
      %mul3A_55 = arith.constant 2 : i32
      %mul3A_56 = arith.muli %scan3A_46, %mul3A_55 : i32
      %mul3A_57 = arith.constant 32 : i32
      %mul3A_58 = arith.muli %mul3A_56, %mul3A_57 : i32
      %add3A_59 = arith.addi %mul3A_2, %mul3A_58 : i32
      %dma_wait3A = arith.constant 0 : i32
      %dma_wait3A_60 = tpu.memref_slice %arg2[%add3A_59, %dma_wait3A] : memref<32768x1024xf32, #tpu.memory_space<hbm>> -> memref<32x1024xf32, #tpu.memory_space<hbm>>
      %dma_wait3A_61 = arith.constant 0 : i32
      %dma_wait3A_62 = tpu.memref_slice %arg2[%add3A_59, %dma_wait3A_61] : memref<32768x1024xf32, #tpu.memory_space<hbm>> -> memref<32x1024xf32, #tpu.memory_space<hbm>>
      tpu.wait_dma2 semaphore(%arg7 : memref<!tpu.dma_semaphore, #tpu.memory_space<semaphore_mem>>) src(%dma_wait3A_62 : memref<32x1024xf32, #tpu.memory_space<hbm>>) dst(%arg4 : memref<32x1024xf32, #tpu.memory_space<vmem>>)
      %scan3A_63 = arith.constant 0 : i32
      %scan3A_64 = arith.constant 32 : i32
      %scan3A_65 = arith.addi %scan3A_63, %scan3A_64 : i32
      %scan3A_66 = arith.constant 1 : i32
      %scan3A_67:8 = scf.for %scan3A_91 = %scan3A_63 to %scan3A_65 step %scan3A_66 iter_args(%scan3A_92 = %scan3A_47, %scan3A_93 = %scan3A_48, %scan3A_94 = %scan3A_49, %scan3A_95 = %scan3A_50, %scan3A_96 = %scan3A_51, %scan3A_97 = %scan3A_52, %scan3A_98 = %scan3A_53, %scan3A_99 = %scan3A_54) -> (vector<16xf32>, vector<16xf32>, vector<16xf32>, vector<16xf32>, vector<16xf32>, vector<16xf32>, vector<16xf32>, vector<16xf32>)  : i32 {
        %get3A = arith.index_cast %scan3A_91 : i32 to index
        %get3A_100 = arith.constant 0 : index
        %get3A_101 = tpu.vector_load %arg4[%get3A, %get3A_100] {strides = array<i32>} : memref<32x1024xf32, #tpu.memory_space<vmem>>, vector<1x16xf32>,
        %get3A_102 = vector.shape_cast %get3A_101 : vector<1x16xf32> to vector<16xf32>
        %max3A = arith.constant 0.000000e+00 : f32
        %max3A_103 = vector.broadcast %max3A : f32 to vector<16xf32>
        %max3A_104 = arith.maximumf %get3A_102, %max3A_103 : vector<16xf32>
        %add3A_105 = arith.addf %scan3A_92, %max3A_104 : vector<16xf32>
        %get3A_106 = arith.index_cast %scan3A_91 : i32 to index
        %get3A_107 = arith.constant 16 : index
        %get3A_108 = tpu.vector_load %arg4[%get3A_106, %get3A_107] {strides = array<i32>} : memref<32x1024xf32, #tpu.memory_space<vmem>>, vector<1x16xf32>,
        %get3A_109 = vector.shape_cast %get3A_108 : vector<1x16xf32> to vector<16xf32>
        %max3A_110 = arith.constant 0.000000e+00 : f32
        %max3A_111 = vector.broadcast %max3A_110 : f32 to vector<16xf32>
        %max3A_112 = arith.maximumf %get3A_109, %max3A_111 : vector<16xf32>
        %add3A_113 = arith.addf %scan3A_93, %max3A_112 : vector<16xf32>
        %get3A_114 = arith.index_cast %scan3A_91 : i32 to index
        %get3A_115 = arith.constant 32 : index
        %get3A_116 = tpu.vector_load %arg4[%get3A_114, %get3A_115] {strides = array<i32>} : memref<32x1024xf32, #tpu.memory_space<vmem>>, vector<1x16xf32>,
        %get3A_117 = vector.shape_cast %get3A_116 : vector<1x16xf32> to vector<16xf32>
        %max3A_118 = arith.constant 0.000000e+00 : f32
        %max3A_119 = vector.broadcast %max3A_118 : f32 to vector<16xf32>
        %max3A_120 = arith.maximumf %get3A_117, %max3A_119 : vector<16xf32>
        %add3A_121 = arith.addf %scan3A_94, %max3A_120 : vector<16xf32>
        %get3A_122 = arith.index_cast %scan3A_91 : i32 to index
        %get3A_123 = arith.constant 48 : index
        %get3A_124 = tpu.vector_load %arg4[%get3A_122, %get3A_123] {strides = array<i32>} : memref<32x1024xf32, #tpu.memory_space<vmem>>, vector<1x16xf32>,
        %get3A_125 = vector.shape_cast %get3A_124 : vector<1x16xf32> to vector<16xf32>
        %max3A_126 = arith.constant 0.000000e+00 : f32
        %max3A_127 = vector.broadcast %max3A_126 : f32 to vector<16xf32>
        %max3A_128 = arith.maximumf %get3A_125, %max3A_127 : vector<16xf32>
        %add3A_129 = arith.addf %scan3A_95, %max3A_128 : vector<16xf32>
        %get3A_130 = arith.index_cast %scan3A_91 : i32 to index
        %get3A_131 = arith.constant 64 : index
        %get3A_132 = tpu.vector_load %arg4[%get3A_130, %get3A_131] {strides = array<i32>} : memref<32x1024xf32, #tpu.memory_space<vmem>>, vector<1x16xf32>,
        %get3A_133 = vector.shape_cast %get3A_132 : vector<1x16xf32> to vector<16xf32>
        %max3A_134 = arith.constant 0.000000e+00 : f32
        %max3A_135 = vector.broadcast %max3A_134 : f32 to vector<16xf32>
        %max3A_136 = arith.maximumf %get3A_133, %max3A_135 : vector<16xf32>
        %add3A_137 = arith.addf %scan3A_96, %max3A_136 : vector<16xf32>
        %get3A_138 = arith.index_cast %scan3A_91 : i32 to index
        %get3A_139 = arith.constant 80 : index
        %get3A_140 = tpu.vector_load %arg4[%get3A_138, %get3A_139] {strides = array<i32>} : memref<32x1024xf32, #tpu.memory_space<vmem>>, vector<1x16xf32>,
        %get3A_141 = vector.shape_cast %get3A_140 : vector<1x16xf32> to vector<16xf32>
        %max3A_142 = arith.constant 0.000000e+00 : f32
        %max3A_143 = vector.broadcast %max3A_142 : f32 to vector<16xf32>
        %max3A_144 = arith.maximumf %get3A_141, %max3A_143 : vector<16xf32>
        %add3A_145 = arith.addf %scan3A_97, %max3A_144 : vector<16xf32>
        %get3A_146 = arith.index_cast %scan3A_91 : i32 to index
        %get3A_147 = arith.constant 96 : index
        %get3A_148 = tpu.vector_load %arg4[%get3A_146, %get3A_147] {strides = array<i32>} : memref<32x1024xf32, #tpu.memory_space<vmem>>, vector<1x16xf32>,
        %get3A_149 = vector.shape_cast %get3A_148 : vector<1x16xf32> to vector<16xf32>
        %max3A_150 = arith.constant 0.000000e+00 : f32
        %max3A_151 = vector.broadcast %max3A_150 : f32 to vector<16xf32>
        %max3A_152 = arith.maximumf %get3A_149, %max3A_151 : vector<16xf32>
        %add3A_153 = arith.addf %scan3A_98, %max3A_152 : vector<16xf32>
        %get3A_154 = arith.index_cast %scan3A_91 : i32 to index
        %get3A_155 = arith.constant 112 : index
        %get3A_156 = tpu.vector_load %arg4[%get3A_154, %get3A_155] {strides = array<i32>} : memref<32x1024xf32, #tpu.memory_space<vmem>>, vector<1x16xf32>,
        %get3A_157 = vector.shape_cast %get3A_156 : vector<1x16xf32> to vector<16xf32>
        %max3A_158 = arith.constant 0.000000e+00 : f32
        %max3A_159 = vector.broadcast %max3A_158 : f32 to vector<16xf32>
        %max3A_160 = arith.maximumf %get3A_157, %max3A_159 : vector<16xf32>
        %add3A_161 = arith.addf %scan3A_99, %max3A_160 : vector<16xf32>
        %get3A_162 = arith.index_cast %scan3A_91 : i32 to index
        %get3A_163 = arith.constant 128 : index
        %get3A_164 = tpu.vector_load %arg4[%get3A_162, %get3A_163] {strides = array<i32>} : memref<32x1024xf32, #tpu.memory_space<vmem>>, vector<1x16xf32>,
        %get3A_165 = vector.shape_cast %get3A_164 : vector<1x16xf32> to vector<16xf32>
        %max3A_166 = arith.constant 0.000000e+00 : f32
        %max3A_167 = vector.broadcast %max3A_166 : f32 to vector<16xf32>
        %max3A_168 = arith.maximumf %get3A_165, %max3A_167 : vector<16xf32>
        %add3A_169 = arith.addf %add3A_105, %max3A_168 : vector<16xf32>
        %get3A_170 = arith.index_cast %scan3A_91 : i32 to index
        %get3A_171 = arith.constant 144 : index
        %get3A_172 = tpu.vector_load %arg4[%get3A_170, %get3A_171] {strides = array<i32>} : memref<32x1024xf32, #tpu.memory_space<vmem>>, vector<1x16xf32>,
        %get3A_173 = vector.shape_cast %get3A_172 : vector<1x16xf32> to vector<16xf32>
        %max3A_174 = arith.constant 0.000000e+00 : f32
        %max3A_175 = vector.broadcast %max3A_174 : f32 to vector<16xf32>
        %max3A_176 = arith.maximumf %get3A_173, %max3A_175 : vector<16xf32>
        %add3A_177 = arith.addf %add3A_113, %max3A_176 : vector<16xf32>
        %get3A_178 = arith.index_cast %scan3A_91 : i32 to index
        %get3A_179 = arith.constant 160 : index
        %get3A_180 = tpu.vector_load %arg4[%get3A_178, %get3A_179] {strides = array<i32>} : memref<32x1024xf32, #tpu.memory_space<vmem>>, vector<1x16xf32>,
        %get3A_181 = vector.shape_cast %get3A_180 : vector<1x16xf32> to vector<16xf32>
        %max3A_182 = arith.constant 0.000000e+00 : f32
        %max3A_183 = vector.broadcast %max3A_182 : f32 to vector<16xf32>
        %max3A_184 = arith.maximumf %get3A_181, %max3A_183 : vector<16xf32>
        %add3A_185 = arith.addf %add3A_121, %max3A_184 : vector<16xf32>
        %get3A_186 = arith.index_cast %scan3A_91 : i32 to index
        %get3A_187 = arith.constant 176 : index
        %get3A_188 = tpu.vector_load %arg4[%get3A_186, %get3A_187] {strides = array<i32>} : memref<32x1024xf32, #tpu.memory_space<vmem>>, vector<1x16xf32>,
        %get3A_189 = vector.shape_cast %get3A_188 : vector<1x16xf32> to vector<16xf32>
        %max3A_190 = arith.constant 0.000000e+00 : f32
        %max3A_191 = vector.broadcast %max3A_190 : f32 to vector<16xf32>
        %max3A_192 = arith.maximumf %get3A_189, %max3A_191 : vector<16xf32>
        %add3A_193 = arith.addf %add3A_129, %max3A_192 : vector<16xf32>
        %get3A_194 = arith.index_cast %scan3A_91 : i32 to index
        %get3A_195 = arith.constant 192 : index
        %get3A_196 = tpu.vector_load %arg4[%get3A_194, %get3A_195] {strides = array<i32>} : memref<32x1024xf32, #tpu.memory_space<vmem>>, vector<1x16xf32>,
        %get3A_197 = vector.shape_cast %get3A_196 : vector<1x16xf32> to vector<16xf32>
        %max3A_198 = arith.constant 0.000000e+00 : f32
        %max3A_199 = vector.broadcast %max3A_198 : f32 to vector<16xf32>
        %max3A_200 = arith.maximumf %get3A_197, %max3A_199 : vector<16xf32>
        %add3A_201 = arith.addf %add3A_137, %max3A_200 : vector<16xf32>
        %get3A_202 = arith.index_cast %scan3A_91 : i32 to index
        %get3A_203 = arith.constant 208 : index
        %get3A_204 = tpu.vector_load %arg4[%get3A_202, %get3A_203] {strides = array<i32>} : memref<32x1024xf32, #tpu.memory_space<vmem>>, vector<1x16xf32>,
        %get3A_205 = vector.shape_cast %get3A_204 : vector<1x16xf32> to vector<16xf32>
        %max3A_206 = arith.constant 0.000000e+00 : f32
        %max3A_207 = vector.broadcast %max3A_206 : f32 to vector<16xf32>
        %max3A_208 = arith.maximumf %get3A_205, %max3A_207 : vector<16xf32>
        %add3A_209 = arith.addf %add3A_145, %max3A_208 : vector<16xf32>
        %get3A_210 = arith.index_cast %scan3A_91 : i32 to index
        %get3A_211 = arith.constant 224 : index
        %get3A_212 = tpu.vector_load %arg4[%get3A_210, %get3A_211] {strides = array<i32>} : memref<32x1024xf32, #tpu.memory_space<vmem>>, vector<1x16xf32>,
        %get3A_213 = vector.shape_cast %get3A_212 : vector<1x16xf32> to vector<16xf32>
        %max3A_214 = arith.constant 0.000000e+00 : f32
        %max3A_215 = vector.broadcast %max3A_214 : f32 to vector<16xf32>
        %max3A_216 = arith.maximumf %get3A_213, %max3A_215 : vector<16xf32>
        %add3A_217 = arith.addf %add3A_153, %max3A_216 : vector<16xf32>
        %get3A_218 = arith.index_cast %scan3A_91 : i32 to index
        %get3A_219 = arith.constant 240 : index
        %get3A_220 = tpu.vector_load %arg4[%get3A_218, %get3A_219] {strides = array<i32>} : memref<32x1024xf32, #tpu.memory_space<vmem>>, vector<1x16xf32>,
        %get3A_221 = vector.shape_cast %get3A_220 : vector<1x16xf32> to vector<16xf32>
        %max3A_222 = arith.constant 0.000000e+00 : f32
        %max3A_223 = vector.broadcast %max3A_222 : f32 to vector<16xf32>
        %max3A_224 = arith.maximumf %get3A_221, %max3A_223 : vector<16xf32>
        %add3A_225 = arith.addf %add3A_161, %max3A_224 : vector<16xf32>
        %get3A_226 = arith.index_cast %scan3A_91 : i32 to index
        %get3A_227 = arith.constant 256 : index
        %get3A_228 = tpu.vector_load %arg4[%get3A_226, %get3A_227] {strides = array<i32>} : memref<32x1024xf32, #tpu.memory_space<vmem>>, vector<1x16xf32>,
        %get3A_229 = vector.shape_cast %get3A_228 : vector<1x16xf32> to vector<16xf32>
        %max3A_230 = arith.constant 0.000000e+00 : f32
        %max3A_231 = vector.broadcast %max3A_230 : f32 to vector<16xf32>
        %max3A_232 = arith.maximumf %get3A_229, %max3A_231 : vector<16xf32>
        %add3A_233 = arith.addf %add3A_169, %max3A_232 : vector<16xf32>
        %get3A_234 = arith.index_cast %scan3A_91 : i32 to index
        %get3A_235 = arith.constant 272 : index
        %get3A_236 = tpu.vector_load %arg4[%get3A_234, %get3A_235] {strides = array<i32>} : memref<32x1024xf32, #tpu.memory_space<vmem>>, vector<1x16xf32>,
        %get3A_237 = vector.shape_cast %get3A_236 : vector<1x16xf32> to vector<16xf32>
        %max3A_238 = arith.constant 0.000000e+00 : f32
        %max3A_239 = vector.broadcast %max3A_238 : f32 to vector<16xf32>
        %max3A_240 = arith.maximumf %get3A_237, %max3A_239 : vector<16xf32>
        %add3A_241 = arith.addf %add3A_177, %max3A_240 : vector<16xf32>
        %get3A_242 = arith.index_cast %scan3A_91 : i32 to index
        %get3A_243 = arith.constant 288 : index
        %get3A_244 = tpu.vector_load %arg4[%get3A_242, %get3A_243] {strides = array<i32>} : memref<32x1024xf32, #tpu.memory_space<vmem>>, vector<1x16xf32>,
        %get3A_245 = vector.shape_cast %get3A_244 : vector<1x16xf32> to vector<16xf32>
        %max3A_246 = arith.constant 0.000000e+00 : f32
        %max3A_247 = vector.broadcast %max3A_246 : f32 to vector<16xf32>
        %max3A_248 = arith.maximumf %get3A_245, %max3A_247 : vector<16xf32>
        %add3A_249 = arith.addf %add3A_185, %max3A_248 : vector<16xf32>
        %get3A_250 = arith.index_cast %scan3A_91 : i32 to index
        %get3A_251 = arith.constant 304 : index
        %get3A_252 = tpu.vector_load %arg4[%get3A_250, %get3A_251] {strides = array<i32>} : memref<32x1024xf32, #tpu.memory_space<vmem>>, vector<1x16xf32>,
        %get3A_253 = vector.shape_cast %get3A_252 : vector<1x16xf32> to vector<16xf32>
        %max3A_254 = arith.constant 0.000000e+00 : f32
        %max3A_255 = vector.broadcast %max3A_254 : f32 to vector<16xf32>
        %max3A_256 = arith.maximumf %get3A_253, %max3A_255 : vector<16xf32>
        %add3A_257 = arith.addf %add3A_193, %max3A_256 : vector<16xf32>
        %get3A_258 = arith.index_cast %scan3A_91 : i32 to index
        %get3A_259 = arith.constant 320 : index
        %get3A_260 = tpu.vector_load %arg4[%get3A_258, %get3A_259] {strides = array<i32>} : memref<32x1024xf32, #tpu.memory_space<vmem>>, vector<1x16xf32>,
        %get3A_261 = vector.shape_cast %get3A_260 : vector<1x16xf32> to vector<16xf32>
        %max3A_262 = arith.constant 0.000000e+00 : f32
        %max3A_263 = vector.broadcast %max3A_262 : f32 to vector<16xf32>
        %max3A_264 = arith.maximumf %get3A_261, %max3A_263 : vector<16xf32>
        %add3A_265 = arith.addf %add3A_201, %max3A_264 : vector<16xf32>
        %get3A_266 = arith.index_cast %scan3A_91 : i32 to index
        %get3A_267 = arith.constant 336 : index
        %get3A_268 = tpu.vector_load %arg4[%get3A_266, %get3A_267] {strides = array<i32>} : memref<32x1024xf32, #tpu.memory_space<vmem>>, vector<1x16xf32>,
        %get3A_269 = vector.shape_cast %get3A_268 : vector<1x16xf32> to vector<16xf32>
        %max3A_270 = arith.constant 0.000000e+00 : f32
        %max3A_271 = vector.broadcast %max3A_270 : f32 to vector<16xf32>
        %max3A_272 = arith.maximumf %get3A_269, %max3A_271 : vector<16xf32>
        %add3A_273 = arith.addf %add3A_209, %max3A_272 : vector<16xf32>
        %get3A_274 = arith.index_cast %scan3A_91 : i32 to index
        %get3A_275 = arith.constant 352 : index
        %get3A_276 = tpu.vector_load %arg4[%get3A_274, %get3A_275] {strides = array<i32>} : memref<32x1024xf32, #tpu.memory_space<vmem>>, vector<1x16xf32>,
        %get3A_277 = vector.shape_cast %get3A_276 : vector<1x16xf32> to vector<16xf32>
        %max3A_278 = arith.constant 0.000000e+00 : f32
        %max3A_279 = vector.broadcast %max3A_278 : f32 to vector<16xf32>
        %max3A_280 = arith.maximumf %get3A_277, %max3A_279 : vector<16xf32>
        %add3A_281 = arith.addf %add3A_217, %max3A_280 : vector<16xf32>
        %get3A_282 = arith.index_cast %scan3A_91 : i32 to index
        %get3A_283 = arith.constant 368 : index
        %get3A_284 = tpu.vector_load %arg4[%get3A_282, %get3A_283] {strides = array<i32>} : memref<32x1024xf32, #tpu.memory_space<vmem>>, vector<1x16xf32>,
        %get3A_285 = vector.shape_cast %get3A_284 : vector<1x16xf32> to vector<16xf32>
        %max3A_286 = arith.constant 0.000000e+00 : f32
        %max3A_287 = vector.broadcast %max3A_286 : f32 to vector<16xf32>
        %max3A_288 = arith.maximumf %get3A_285, %max3A_287 : vector<16xf32>
        %add3A_289 = arith.addf %add3A_225, %max3A_288 : vector<16xf32>
        %get3A_290 = arith.index_cast %scan3A_91 : i32 to index
        %get3A_291 = arith.constant 384 : index
        %get3A_292 = tpu.vector_load %arg4[%get3A_290, %get3A_291] {strides = array<i32>} : memref<32x1024xf32, #tpu.memory_space<vmem>>, vector<1x16xf32>,
        %get3A_293 = vector.shape_cast %get3A_292 : vector<1x16xf32> to vector<16xf32>
        %max3A_294 = arith.constant 0.000000e+00 : f32
        %max3A_295 = vector.broadcast %max3A_294 : f32 to vector<16xf32>
        %max3A_296 = arith.maximumf %get3A_293, %max3A_295 : vector<16xf32>
        %add3A_297 = arith.addf %add3A_233, %max3A_296 : vector<16xf32>
        %get3A_298 = arith.index_cast %scan3A_91 : i32 to index
        %get3A_299 = arith.constant 400 : index
        %get3A_300 = tpu.vector_load %arg4[%get3A_298, %get3A_299] {strides = array<i32>} : memref<32x1024xf32, #tpu.memory_space<vmem>>, vector<1x16xf32>,
        %get3A_301 = vector.shape_cast %get3A_300 : vector<1x16xf32> to vector<16xf32>
        %max3A_302 = arith.constant 0.000000e+00 : f32
        %max3A_303 = vector.broadcast %max3A_302 : f32 to vector<16xf32>
        %max3A_304 = arith.maximumf %get3A_301, %max3A_303 : vector<16xf32>
        %add3A_305 = arith.addf %add3A_241, %max3A_304 : vector<16xf32>
        %get3A_306 = arith.index_cast %scan3A_91 : i32 to index
        %get3A_307 = arith.constant 416 : index
        %get3A_308 = tpu.vector_load %arg4[%get3A_306, %get3A_307] {strides = array<i32>} : memref<32x1024xf32, #tpu.memory_space<vmem>>, vector<1x16xf32>,
        %get3A_309 = vector.shape_cast %get3A_308 : vector<1x16xf32> to vector<16xf32>
        %max3A_310 = arith.constant 0.000000e+00 : f32
        %max3A_311 = vector.broadcast %max3A_310 : f32 to vector<16xf32>
        %max3A_312 = arith.maximumf %get3A_309, %max3A_311 : vector<16xf32>
        %add3A_313 = arith.addf %add3A_249, %max3A_312 : vector<16xf32>
        %get3A_314 = arith.index_cast %scan3A_91 : i32 to index
        %get3A_315 = arith.constant 432 : index
        %get3A_316 = tpu.vector_load %arg4[%get3A_314, %get3A_315] {strides = array<i32>} : memref<32x1024xf32, #tpu.memory_space<vmem>>, vector<1x16xf32>,
        %get3A_317 = vector.shape_cast %get3A_316 : vector<1x16xf32> to vector<16xf32>
        %max3A_318 = arith.constant 0.000000e+00 : f32
        %max3A_319 = vector.broadcast %max3A_318 : f32 to vector<16xf32>
        %max3A_320 = arith.maximumf %get3A_317, %max3A_319 : vector<16xf32>
        %add3A_321 = arith.addf %add3A_257, %max3A_320 : vector<16xf32>
        %get3A_322 = arith.index_cast %scan3A_91 : i32 to index
        %get3A_323 = arith.constant 448 : index
        %get3A_324 = tpu.vector_load %arg4[%get3A_322, %get3A_323] {strides = array<i32>} : memref<32x1024xf32, #tpu.memory_space<vmem>>, vector<1x16xf32>,
        %get3A_325 = vector.shape_cast %get3A_324 : vector<1x16xf32> to vector<16xf32>
        %max3A_326 = arith.constant 0.000000e+00 : f32
        %max3A_327 = vector.broadcast %max3A_326 : f32 to vector<16xf32>
        %max3A_328 = arith.maximumf %get3A_325, %max3A_327 : vector<16xf32>
        %add3A_329 = arith.addf %add3A_265, %max3A_328 : vector<16xf32>
        %get3A_330 = arith.index_cast %scan3A_91 : i32 to index
        %get3A_331 = arith.constant 464 : index
        %get3A_332 = tpu.vector_load %arg4[%get3A_330, %get3A_331] {strides = array<i32>} : memref<32x1024xf32, #tpu.memory_space<vmem>>, vector<1x16xf32>,
        %get3A_333 = vector.shape_cast %get3A_332 : vector<1x16xf32> to vector<16xf32>
        %max3A_334 = arith.constant 0.000000e+00 : f32
        %max3A_335 = vector.broadcast %max3A_334 : f32 to vector<16xf32>
        %max3A_336 = arith.maximumf %get3A_333, %max3A_335 : vector<16xf32>
        %add3A_337 = arith.addf %add3A_273, %max3A_336 : vector<16xf32>
        %get3A_338 = arith.index_cast %scan3A_91 : i32 to index
        %get3A_339 = arith.constant 480 : index
        %get3A_340 = tpu.vector_load %arg4[%get3A_338, %get3A_339] {strides = array<i32>} : memref<32x1024xf32, #tpu.memory_space<vmem>>, vector<1x16xf32>,
        %get3A_341 = vector.shape_cast %get3A_340 : vector<1x16xf32> to vector<16xf32>
        %max3A_342 = arith.constant 0.000000e+00 : f32
        %max3A_343 = vector.broadcast %max3A_342 : f32 to vector<16xf32>
        %max3A_344 = arith.maximumf %get3A_341, %max3A_343 : vector<16xf32>
        %add3A_345 = arith.addf %add3A_281, %max3A_344 : vector<16xf32>
        %get3A_346 = arith.index_cast %scan3A_91 : i32 to index
        %get3A_347 = arith.constant 496 : index
        %get3A_348 = tpu.vector_load %arg4[%get3A_346, %get3A_347] {strides = array<i32>} : memref<32x1024xf32, #tpu.memory_space<vmem>>, vector<1x16xf32>,
        %get3A_349 = vector.shape_cast %get3A_348 : vector<1x16xf32> to vector<16xf32>
        %max3A_350 = arith.constant 0.000000e+00 : f32
        %max3A_351 = vector.broadcast %max3A_350 : f32 to vector<16xf32>
        %max3A_352 = arith.maximumf %get3A_349, %max3A_351 : vector<16xf32>
        %add3A_353 = arith.addf %add3A_289, %max3A_352 : vector<16xf32>
        %get3A_354 = arith.index_cast %scan3A_91 : i32 to index
        %get3A_355 = arith.constant 512 : index
        %get3A_356 = tpu.vector_load %arg4[%get3A_354, %get3A_355] {strides = array<i32>} : memref<32x1024xf32, #tpu.memory_space<vmem>>, vector<1x16xf32>,
        %get3A_357 = vector.shape_cast %get3A_356 : vector<1x16xf32> to vector<16xf32>
        %max3A_358 = arith.constant 0.000000e+00 : f32
        %max3A_359 = vector.broadcast %max3A_358 : f32 to vector<16xf32>
        %max3A_360 = arith.maximumf %get3A_357, %max3A_359 : vector<16xf32>
        %add3A_361 = arith.addf %add3A_297, %max3A_360 : vector<16xf32>
        %get3A_362 = arith.index_cast %scan3A_91 : i32 to index
        %get3A_363 = arith.constant 528 : index
        %get3A_364 = tpu.vector_load %arg4[%get3A_362, %get3A_363] {strides = array<i32>} : memref<32x1024xf32, #tpu.memory_space<vmem>>, vector<1x16xf32>,
        %get3A_365 = vector.shape_cast %get3A_364 : vector<1x16xf32> to vector<16xf32>
        %max3A_366 = arith.constant 0.000000e+00 : f32
        %max3A_367 = vector.broadcast %max3A_366 : f32 to vector<16xf32>
        %max3A_368 = arith.maximumf %get3A_365, %max3A_367 : vector<16xf32>
        %add3A_369 = arith.addf %add3A_305, %max3A_368 : vector<16xf32>
        %get3A_370 = arith.index_cast %scan3A_91 : i32 to index
        %get3A_371 = arith.constant 544 : index
        %get3A_372 = tpu.vector_load %arg4[%get3A_370, %get3A_371] {strides = array<i32>} : memref<32x1024xf32, #tpu.memory_space<vmem>>, vector<1x16xf32>,
        %get3A_373 = vector.shape_cast %get3A_372 : vector<1x16xf32> to vector<16xf32>
        %max3A_374 = arith.constant 0.000000e+00 : f32
        %max3A_375 = vector.broadcast %max3A_374 : f32 to vector<16xf32>
        %max3A_376 = arith.maximumf %get3A_373, %max3A_375 : vector<16xf32>
        %add3A_377 = arith.addf %add3A_313, %max3A_376 : vector<16xf32>
        %get3A_378 = arith.index_cast %scan3A_91 : i32 to index
        %get3A_379 = arith.constant 560 : index
        %get3A_380 = tpu.vector_load %arg4[%get3A_378, %get3A_379] {strides = array<i32>} : memref<32x1024xf32, #tpu.memory_space<vmem>>, vector<1x16xf32>,
        %get3A_381 = vector.shape_cast %get3A_380 : vector<1x16xf32> to vector<16xf32>
        %max3A_382 = arith.constant 0.000000e+00 : f32
        %max3A_383 = vector.broadcast %max3A_382 : f32 to vector<16xf32>
        %max3A_384 = arith.maximumf %get3A_381, %max3A_383 : vector<16xf32>
        %add3A_385 = arith.addf %add3A_321, %max3A_384 : vector<16xf32>
        %get3A_386 = arith.index_cast %scan3A_91 : i32 to index
        %get3A_387 = arith.constant 576 : index
        %get3A_388 = tpu.vector_load %arg4[%get3A_386, %get3A_387] {strides = array<i32>} : memref<32x1024xf32, #tpu.memory_space<vmem>>, vector<1x16xf32>,
        %get3A_389 = vector.shape_cast %get3A_388 : vector<1x16xf32> to vector<16xf32>
        %max3A_390 = arith.constant 0.000000e+00 : f32
        %max3A_391 = vector.broadcast %max3A_390 : f32 to vector<16xf32>
        %max3A_392 = arith.maximumf %get3A_389, %max3A_391 : vector<16xf32>
        %add3A_393 = arith.addf %add3A_329, %max3A_392 : vector<16xf32>
        %get3A_394 = arith.index_cast %scan3A_91 : i32 to index
        %get3A_395 = arith.constant 592 : index
        %get3A_396 = tpu.vector_load %arg4[%get3A_394, %get3A_395] {strides = array<i32>} : memref<32x1024xf32, #tpu.memory_space<vmem>>, vector<1x16xf32>,
        %get3A_397 = vector.shape_cast %get3A_396 : vector<1x16xf32> to vector<16xf32>
        %max3A_398 = arith.constant 0.000000e+00 : f32
        %max3A_399 = vector.broadcast %max3A_398 : f32 to vector<16xf32>
        %max3A_400 = arith.maximumf %get3A_397, %max3A_399 : vector<16xf32>
        %add3A_401 = arith.addf %add3A_337, %max3A_400 : vector<16xf32>
        %get3A_402 = arith.index_cast %scan3A_91 : i32 to index
        %get3A_403 = arith.constant 608 : index
        %get3A_404 = tpu.vector_load %arg4[%get3A_402, %get3A_403] {strides = array<i32>} : memref<32x1024xf32, #tpu.memory_space<vmem>>, vector<1x16xf32>,
        %get3A_405 = vector.shape_cast %get3A_404 : vector<1x16xf32> to vector<16xf32>
        %max3A_406 = arith.constant 0.000000e+00 : f32
        %max3A_407 = vector.broadcast %max3A_406 : f32 to vector<16xf32>
        %max3A_408 = arith.maximumf %get3A_405, %max3A_407 : vector<16xf32>
        %add3A_409 = arith.addf %add3A_345, %max3A_408 : vector<16xf32>
        %get3A_410 = arith.index_cast %scan3A_91 : i32 to index
        %get3A_411 = arith.constant 624 : index
        %get3A_412 = tpu.vector_load %arg4[%get3A_410, %get3A_411] {strides = array<i32>} : memref<32x1024xf32, #tpu.memory_space<vmem>>, vector<1x16xf32>,
        %get3A_413 = vector.shape_cast %get3A_412 : vector<1x16xf32> to vector<16xf32>
        %max3A_414 = arith.constant 0.000000e+00 : f32
        %max3A_415 = vector.broadcast %max3A_414 : f32 to vector<16xf32>
        %max3A_416 = arith.maximumf %get3A_413, %max3A_415 : vector<16xf32>
        %add3A_417 = arith.addf %add3A_353, %max3A_416 : vector<16xf32>
        %get3A_418 = arith.index_cast %scan3A_91 : i32 to index
        %get3A_419 = arith.constant 640 : index
        %get3A_420 = tpu.vector_load %arg4[%get3A_418, %get3A_419] {strides = array<i32>} : memref<32x1024xf32, #tpu.memory_space<vmem>>, vector<1x16xf32>,
        %get3A_421 = vector.shape_cast %get3A_420 : vector<1x16xf32> to vector<16xf32>
        %max3A_422 = arith.constant 0.000000e+00 : f32
        %max3A_423 = vector.broadcast %max3A_422 : f32 to vector<16xf32>
        %max3A_424 = arith.maximumf %get3A_421, %max3A_423 : vector<16xf32>
        %add3A_425 = arith.addf %add3A_361, %max3A_424 : vector<16xf32>
        %get3A_426 = arith.index_cast %scan3A_91 : i32 to index
        %get3A_427 = arith.constant 656 : index
        %get3A_428 = tpu.vector_load %arg4[%get3A_426, %get3A_427] {strides = array<i32>} : memref<32x1024xf32, #tpu.memory_space<vmem>>, vector<1x16xf32>,
        %get3A_429 = vector.shape_cast %get3A_428 : vector<1x16xf32> to vector<16xf32>
        %max3A_430 = arith.constant 0.000000e+00 : f32
        %max3A_431 = vector.broadcast %max3A_430 : f32 to vector<16xf32>
        %max3A_432 = arith.maximumf %get3A_429, %max3A_431 : vector<16xf32>
        %add3A_433 = arith.addf %add3A_369, %max3A_432 : vector<16xf32>
        %get3A_434 = arith.index_cast %scan3A_91 : i32 to index
        %get3A_435 = arith.constant 672 : index
        %get3A_436 = tpu.vector_load %arg4[%get3A_434, %get3A_435] {strides = array<i32>} : memref<32x1024xf32, #tpu.memory_space<vmem>>, vector<1x16xf32>,
        %get3A_437 = vector.shape_cast %get3A_436 : vector<1x16xf32> to vector<16xf32>
        %max3A_438 = arith.constant 0.000000e+00 : f32
        %max3A_439 = vector.broadcast %max3A_438 : f32 to vector<16xf32>
        %max3A_440 = arith.maximumf %get3A_437, %max3A_439 : vector<16xf32>
        %add3A_441 = arith.addf %add3A_377, %max3A_440 : vector<16xf32>
        %get3A_442 = arith.index_cast %scan3A_91 : i32 to index
        %get3A_443 = arith.constant 688 : index
        %get3A_444 = tpu.vector_load %arg4[%get3A_442, %get3A_443] {strides = array<i32>} : memref<32x1024xf32, #tpu.memory_space<vmem>>, vector<1x16xf32>,
        %get3A_445 = vector.shape_cast %get3A_444 : vector<1x16xf32> to vector<16xf32>
        %max3A_446 = arith.constant 0.000000e+00 : f32
        %max3A_447 = vector.broadcast %max3A_446 : f32 to vector<16xf32>
        %max3A_448 = arith.maximumf %get3A_445, %max3A_447 : vector<16xf32>
        %add3A_449 = arith.addf %add3A_385, %max3A_448 : vector<16xf32>
        %get3A_450 = arith.index_cast %scan3A_91 : i32 to index
        %get3A_451 = arith.constant 704 : index
        %get3A_452 = tpu.vector_load %arg4[%get3A_450, %get3A_451] {strides = array<i32>} : memref<32x1024xf32, #tpu.memory_space<vmem>>, vector<1x16xf32>,
        %get3A_453 = vector.shape_cast %get3A_452 : vector<1x16xf32> to vector<16xf32>
        %max3A_454 = arith.constant 0.000000e+00 : f32
        %max3A_455 = vector.broadcast %max3A_454 : f32 to vector<16xf32>
        %max3A_456 = arith.maximumf %get3A_453, %max3A_455 : vector<16xf32>
        %add3A_457 = arith.addf %add3A_393, %max3A_456 : vector<16xf32>
        %get3A_458 = arith.index_cast %scan3A_91 : i32 to index
        %get3A_459 = arith.constant 720 : index
        %get3A_460 = tpu.vector_load %arg4[%get3A_458, %get3A_459] {strides = array<i32>} : memref<32x1024xf32, #tpu.memory_space<vmem>>, vector<1x16xf32>,
        %get3A_461 = vector.shape_cast %get3A_460 : vector<1x16xf32> to vector<16xf32>
        %max3A_462 = arith.constant 0.000000e+00 : f32
        %max3A_463 = vector.broadcast %max3A_462 : f32 to vector<16xf32>
        %max3A_464 = arith.maximumf %get3A_461, %max3A_463 : vector<16xf32>
        %add3A_465 = arith.addf %add3A_401, %max3A_464 : vector<16xf32>
        %get3A_466 = arith.index_cast %scan3A_91 : i32 to index
        %get3A_467 = arith.constant 736 : index
        %get3A_468 = tpu.vector_load %arg4[%get3A_466, %get3A_467] {strides = array<i32>} : memref<32x1024xf32, #tpu.memory_space<vmem>>, vector<1x16xf32>,
        %get3A_469 = vector.shape_cast %get3A_468 : vector<1x16xf32> to vector<16xf32>
        %max3A_470 = arith.constant 0.000000e+00 : f32
        %max3A_471 = vector.broadcast %max3A_470 : f32 to vector<16xf32>
        %max3A_472 = arith.maximumf %get3A_469, %max3A_471 : vector<16xf32>
        %add3A_473 = arith.addf %add3A_409, %max3A_472 : vector<16xf32>
        %get3A_474 = arith.index_cast %scan3A_91 : i32 to index
        %get3A_475 = arith.constant 752 : index
        %get3A_476 = tpu.vector_load %arg4[%get3A_474, %get3A_475] {strides = array<i32>} : memref<32x1024xf32, #tpu.memory_space<vmem>>, vector<1x16xf32>,
        %get3A_477 = vector.shape_cast %get3A_476 : vector<1x16xf32> to vector<16xf32>
        %max3A_478 = arith.constant 0.000000e+00 : f32
        %max3A_479 = vector.broadcast %max3A_478 : f32 to vector<16xf32>
        %max3A_480 = arith.maximumf %get3A_477, %max3A_479 : vector<16xf32>
        %add3A_481 = arith.addf %add3A_417, %max3A_480 : vector<16xf32>
        %get3A_482 = arith.index_cast %scan3A_91 : i32 to index
        %get3A_483 = arith.constant 768 : index
        %get3A_484 = tpu.vector_load %arg4[%get3A_482, %get3A_483] {strides = array<i32>} : memref<32x1024xf32, #tpu.memory_space<vmem>>, vector<1x16xf32>,
        %get3A_485 = vector.shape_cast %get3A_484 : vector<1x16xf32> to vector<16xf32>
        %max3A_486 = arith.constant 0.000000e+00 : f32
        %max3A_487 = vector.broadcast %max3A_486 : f32 to vector<16xf32>
        %max3A_488 = arith.maximumf %get3A_485, %max3A_487 : vector<16xf32>
        %add3A_489 = arith.addf %add3A_425, %max3A_488 : vector<16xf32>
        %get3A_490 = arith.index_cast %scan3A_91 : i32 to index
        %get3A_491 = arith.constant 784 : index
        %get3A_492 = tpu.vector_load %arg4[%get3A_490, %get3A_491] {strides = array<i32>} : memref<32x1024xf32, #tpu.memory_space<vmem>>, vector<1x16xf32>,
        %get3A_493 = vector.shape_cast %get3A_492 : vector<1x16xf32> to vector<16xf32>
        %max3A_494 = arith.constant 0.000000e+00 : f32
        %max3A_495 = vector.broadcast %max3A_494 : f32 to vector<16xf32>
        %max3A_496 = arith.maximumf %get3A_493, %max3A_495 : vector<16xf32>
        %add3A_497 = arith.addf %add3A_433, %max3A_496 : vector<16xf32>
        %get3A_498 = arith.index_cast %scan3A_91 : i32 to index
        %get3A_499 = arith.constant 800 : index
        %get3A_500 = tpu.vector_load %arg4[%get3A_498, %get3A_499] {strides = array<i32>} : memref<32x1024xf32, #tpu.memory_space<vmem>>, vector<1x16xf32>,
        %get3A_501 = vector.shape_cast %get3A_500 : vector<1x16xf32> to vector<16xf32>
        %max3A_502 = arith.constant 0.000000e+00 : f32
        %max3A_503 = vector.broadcast %max3A_502 : f32 to vector<16xf32>
        %max3A_504 = arith.maximumf %get3A_501, %max3A_503 : vector<16xf32>
        %add3A_505 = arith.addf %add3A_441, %max3A_504 : vector<16xf32>
        %get3A_506 = arith.index_cast %scan3A_91 : i32 to index
        %get3A_507 = arith.constant 816 : index
        %get3A_508 = tpu.vector_load %arg4[%get3A_506, %get3A_507] {strides = array<i32>} : memref<32x1024xf32, #tpu.memory_space<vmem>>, vector<1x16xf32>,
        %get3A_509 = vector.shape_cast %get3A_508 : vector<1x16xf32> to vector<16xf32>
        %max3A_510 = arith.constant 0.000000e+00 : f32
        %max3A_511 = vector.broadcast %max3A_510 : f32 to vector<16xf32>
        %max3A_512 = arith.maximumf %get3A_509, %max3A_511 : vector<16xf32>
        %add3A_513 = arith.addf %add3A_449, %max3A_512 : vector<16xf32>
        %get3A_514 = arith.index_cast %scan3A_91 : i32 to index
        %get3A_515 = arith.constant 832 : index
        %get3A_516 = tpu.vector_load %arg4[%get3A_514, %get3A_515] {strides = array<i32>} : memref<32x1024xf32, #tpu.memory_space<vmem>>, vector<1x16xf32>,
        %get3A_517 = vector.shape_cast %get3A_516 : vector<1x16xf32> to vector<16xf32>
        %max3A_518 = arith.constant 0.000000e+00 : f32
        %max3A_519 = vector.broadcast %max3A_518 : f32 to vector<16xf32>
        %max3A_520 = arith.maximumf %get3A_517, %max3A_519 : vector<16xf32>
        %add3A_521 = arith.addf %add3A_457, %max3A_520 : vector<16xf32>
        %get3A_522 = arith.index_cast %scan3A_91 : i32 to index
        %get3A_523 = arith.constant 848 : index
        %get3A_524 = tpu.vector_load %arg4[%get3A_522, %get3A_523] {strides = array<i32>} : memref<32x1024xf32, #tpu.memory_space<vmem>>, vector<1x16xf32>,
        %get3A_525 = vector.shape_cast %get3A_524 : vector<1x16xf32> to vector<16xf32>
        %max3A_526 = arith.constant 0.000000e+00 : f32
        %max3A_527 = vector.broadcast %max3A_526 : f32 to vector<16xf32>
        %max3A_528 = arith.maximumf %get3A_525, %max3A_527 : vector<16xf32>
        %add3A_529 = arith.addf %add3A_465, %max3A_528 : vector<16xf32>
        %get3A_530 = arith.index_cast %scan3A_91 : i32 to index
        %get3A_531 = arith.constant 864 : index
        %get3A_532 = tpu.vector_load %arg4[%get3A_530, %get3A_531] {strides = array<i32>} : memref<32x1024xf32, #tpu.memory_space<vmem>>, vector<1x16xf32>,
        %get3A_533 = vector.shape_cast %get3A_532 : vector<1x16xf32> to vector<16xf32>
        %max3A_534 = arith.constant 0.000000e+00 : f32
        %max3A_535 = vector.broadcast %max3A_534 : f32 to vector<16xf32>
        %max3A_536 = arith.maximumf %get3A_533, %max3A_535 : vector<16xf32>
        %add3A_537 = arith.addf %add3A_473, %max3A_536 : vector<16xf32>
        %get3A_538 = arith.index_cast %scan3A_91 : i32 to index
        %get3A_539 = arith.constant 880 : index
        %get3A_540 = tpu.vector_load %arg4[%get3A_538, %get3A_539] {strides = array<i32>} : memref<32x1024xf32, #tpu.memory_space<vmem>>, vector<1x16xf32>,
        %get3A_541 = vector.shape_cast %get3A_540 : vector<1x16xf32> to vector<16xf32>
        %max3A_542 = arith.constant 0.000000e+00 : f32
        %max3A_543 = vector.broadcast %max3A_542 : f32 to vector<16xf32>
        %max3A_544 = arith.maximumf %get3A_541, %max3A_543 : vector<16xf32>
        %add3A_545 = arith.addf %add3A_481, %max3A_544 : vector<16xf32>
        %get3A_546 = arith.index_cast %scan3A_91 : i32 to index
        %get3A_547 = arith.constant 896 : index
        %get3A_548 = tpu.vector_load %arg4[%get3A_546, %get3A_547] {strides = array<i32>} : memref<32x1024xf32, #tpu.memory_space<vmem>>, vector<1x16xf32>,
        %get3A_549 = vector.shape_cast %get3A_548 : vector<1x16xf32> to vector<16xf32>
        %max3A_550 = arith.constant 0.000000e+00 : f32
        %max3A_551 = vector.broadcast %max3A_550 : f32 to vector<16xf32>
        %max3A_552 = arith.maximumf %get3A_549, %max3A_551 : vector<16xf32>
        %add3A_553 = arith.addf %add3A_489, %max3A_552 : vector<16xf32>
        %get3A_554 = arith.index_cast %scan3A_91 : i32 to index
        %get3A_555 = arith.constant 912 : index
        %get3A_556 = tpu.vector_load %arg4[%get3A_554, %get3A_555] {strides = array<i32>} : memref<32x1024xf32, #tpu.memory_space<vmem>>, vector<1x16xf32>,
        %get3A_557 = vector.shape_cast %get3A_556 : vector<1x16xf32> to vector<16xf32>
        %max3A_558 = arith.constant 0.000000e+00 : f32
        %max3A_559 = vector.broadcast %max3A_558 : f32 to vector<16xf32>
        %max3A_560 = arith.maximumf %get3A_557, %max3A_559 : vector<16xf32>
        %add3A_561 = arith.addf %add3A_497, %max3A_560 : vector<16xf32>
        %get3A_562 = arith.index_cast %scan3A_91 : i32 to index
        %get3A_563 = arith.constant 928 : index
        %get3A_564 = tpu.vector_load %arg4[%get3A_562, %get3A_563] {strides = array<i32>} : memref<32x1024xf32, #tpu.memory_space<vmem>>, vector<1x16xf32>,
        %get3A_565 = vector.shape_cast %get3A_564 : vector<1x16xf32> to vector<16xf32>
        %max3A_566 = arith.constant 0.000000e+00 : f32
        %max3A_567 = vector.broadcast %max3A_566 : f32 to vector<16xf32>
        %max3A_568 = arith.maximumf %get3A_565, %max3A_567 : vector<16xf32>
        %add3A_569 = arith.addf %add3A_505, %max3A_568 : vector<16xf32>
        %get3A_570 = arith.index_cast %scan3A_91 : i32 to index
        %get3A_571 = arith.constant 944 : index
        %get3A_572 = tpu.vector_load %arg4[%get3A_570, %get3A_571] {strides = array<i32>} : memref<32x1024xf32, #tpu.memory_space<vmem>>, vector<1x16xf32>,
        %get3A_573 = vector.shape_cast %get3A_572 : vector<1x16xf32> to vector<16xf32>
        %max3A_574 = arith.constant 0.000000e+00 : f32
        %max3A_575 = vector.broadcast %max3A_574 : f32 to vector<16xf32>
        %max3A_576 = arith.maximumf %get3A_573, %max3A_575 : vector<16xf32>
        %add3A_577 = arith.addf %add3A_513, %max3A_576 : vector<16xf32>
        %get3A_578 = arith.index_cast %scan3A_91 : i32 to index
        %get3A_579 = arith.constant 960 : index
        %get3A_580 = tpu.vector_load %arg4[%get3A_578, %get3A_579] {strides = array<i32>} : memref<32x1024xf32, #tpu.memory_space<vmem>>, vector<1x16xf32>,
        %get3A_581 = vector.shape_cast %get3A_580 : vector<1x16xf32> to vector<16xf32>
        %max3A_582 = arith.constant 0.000000e+00 : f32
        %max3A_583 = vector.broadcast %max3A_582 : f32 to vector<16xf32>
        %max3A_584 = arith.maximumf %get3A_581, %max3A_583 : vector<16xf32>
        %add3A_585 = arith.addf %add3A_521, %max3A_584 : vector<16xf32>
        %get3A_586 = arith.index_cast %scan3A_91 : i32 to index
        %get3A_587 = arith.constant 976 : index
        %get3A_588 = tpu.vector_load %arg4[%get3A_586, %get3A_587] {strides = array<i32>} : memref<32x1024xf32, #tpu.memory_space<vmem>>, vector<1x16xf32>,
        %get3A_589 = vector.shape_cast %get3A_588 : vector<1x16xf32> to vector<16xf32>
        %max3A_590 = arith.constant 0.000000e+00 : f32
        %max3A_591 = vector.broadcast %max3A_590 : f32 to vector<16xf32>
        %max3A_592 = arith.maximumf %get3A_589, %max3A_591 : vector<16xf32>
        %add3A_593 = arith.addf %add3A_529, %max3A_592 : vector<16xf32>
        %get3A_594 = arith.index_cast %scan3A_91 : i32 to index
        %get3A_595 = arith.constant 992 : index
        %get3A_596 = tpu.vector_load %arg4[%get3A_594, %get3A_595] {strides = array<i32>} : memref<32x1024xf32, #tpu.memory_space<vmem>>, vector<1x16xf32>,
        %get3A_597 = vector.shape_cast %get3A_596 : vector<1x16xf32> to vector<16xf32>
        %max3A_598 = arith.constant 0.000000e+00 : f32
        %max3A_599 = vector.broadcast %max3A_598 : f32 to vector<16xf32>
        %max3A_600 = arith.maximumf %get3A_597, %max3A_599 : vector<16xf32>
        %add3A_601 = arith.addf %add3A_537, %max3A_600 : vector<16xf32>
        %get3A_602 = arith.index_cast %scan3A_91 : i32 to index
        %get3A_603 = arith.constant 1008 : index
        %get3A_604 = tpu.vector_load %arg4[%get3A_602, %get3A_603] {strides = array<i32>} : memref<32x1024xf32, #tpu.memory_space<vmem>>, vector<1x16xf32>,
        %get3A_605 = vector.shape_cast %get3A_604 : vector<1x16xf32> to vector<16xf32>
        %max3A_606 = arith.constant 0.000000e+00 : f32
        %max3A_607 = vector.broadcast %max3A_606 : f32 to vector<16xf32>
        %max3A_608 = arith.maximumf %get3A_605, %max3A_607 : vector<16xf32>
        %add3A_609 = arith.addf %add3A_545, %max3A_608 : vector<16xf32>
        scf.yield %add3A_553, %add3A_561, %add3A_569, %add3A_577, %add3A_585, %add3A_593, %add3A_601, %add3A_609 : vector<16xf32>, vector<16xf32>, vector<16xf32>, vector<16xf32>, vector<16xf32>, vector<16xf32>, vector<16xf32>, vector<16xf32>
      }
      %scan3A_68 = arith.constant 32 : i32
      %lt3A = arith.constant 5 : i32
      %lt3A_69 = arith.cmpi slt, %scan3A_46, %lt3A : i32
      %convert_element_type3A = arith.extui %lt3A_69 : i1 to i32
      %cond3A = arith.constant 0 : i32
      %cond3A_70 = arith.cmpi ne, %convert_element_type3A, %cond3A : i32
      scf.if %cond3A_70 {
        %add3A_91 = arith.constant 2 : i32
        %add3A_92 = arith.addi %mul3A_56, %add3A_91 : i32
        %mul3A_93 = arith.constant 32 : i32
        %mul3A_94 = arith.muli %add3A_92, %mul3A_93 : i32
        %add3A_95 = arith.addi %mul3A_2, %mul3A_94 : i32
        %dma_start3A_96 = arith.constant 0 : i32
        %dma_start3A_97 = tpu.memref_slice %arg2[%add3A_95, %dma_start3A_96] : memref<32768x1024xf32, #tpu.memory_space<hbm>> -> memref<32x1024xf32, #tpu.memory_space<hbm>>
        %dma_start3A_98 = arith.constant 0 : i32
        %dma_start3A_99 = tpu.memref_slice %arg2[%add3A_95, %dma_start3A_98] : memref<32768x1024xf32, #tpu.memory_space<hbm>> -> memref<32x1024xf32, #tpu.memory_space<hbm>>
        tpu.enqueue_dma source(%dma_start3A_99 : memref<32x1024xf32, #tpu.memory_space<hbm>>) target(%arg4 : memref<32x1024xf32, #tpu.memory_space<vmem>>) target_semaphore(%arg7 : memref<!tpu.dma_semaphore, #tpu.memory_space<semaphore_mem>>)
      } else {
      }
      %add3A_71 = arith.constant 1 : i32
      %add3A_72 = arith.addi %mul3A_56, %add3A_71 : i32
      %mul3A_73 = arith.constant 32 : i32
      %mul3A_74 = arith.muli %add3A_72, %mul3A_73 : i32
      %add3A_75 = arith.addi %mul3A_2, %mul3A_74 : i32
      %dma_wait3A_76 = arith.constant 0 : i32
      %dma_wait3A_77 = tpu.memref_slice %arg2[%add3A_75, %dma_wait3A_76] : memref<32768x1024xf32, #tpu.memory_space<hbm>> -> memref<32x1024xf32, #tpu.memory_space<hbm>>
      %dma_wait3A_78 = arith.constant 0 : i32
      %dma_wait3A_79 = tpu.memref_slice %arg2[%add3A_75, %dma_wait3A_78] : memref<32768x1024xf32, #tpu.memory_space<hbm>> -> memref<32x1024xf32, #tpu.memory_space<hbm>>
      tpu.wait_dma2 semaphore(%arg8 : memref<!tpu.dma_semaphore, #tpu.memory_space<semaphore_mem>>) src(%dma_wait3A_79 : memref<32x1024xf32, #tpu.memory_space<hbm>>) dst(%arg5 : memref<32x1024xf32, #tpu.memory_space<vmem>>)
      %scan3A_80 = arith.constant 0 : i32
      %scan3A_81 = arith.constant 32 : i32
      %scan3A_82 = arith.addi %scan3A_80, %scan3A_81 : i32
      %scan3A_83 = arith.constant 1 : i32
      %scan3A_84:8 = scf.for %scan3A_91 = %scan3A_80 to %scan3A_82 step %scan3A_83 iter_args(%scan3A_92 = %scan3A_67#0, %scan3A_93 = %scan3A_67#1, %scan3A_94 = %scan3A_67#2, %scan3A_95 = %scan3A_67#3, %scan3A_96 = %scan3A_67#4, %scan3A_97 = %scan3A_67#5, %scan3A_98 = %scan3A_67#6, %scan3A_99 = %scan3A_67#7) -> (vector<16xf32>, vector<16xf32>, vector<16xf32>, vector<16xf32>, vector<16xf32>, vector<16xf32>, vector<16xf32>, vector<16xf32>)  : i32 {
        %get3A = arith.index_cast %scan3A_91 : i32 to index
        %get3A_100 = arith.constant 0 : index
        %get3A_101 = tpu.vector_load %arg5[%get3A, %get3A_100] {strides = array<i32>} : memref<32x1024xf32, #tpu.memory_space<vmem>>, vector<1x16xf32>,
        %get3A_102 = vector.shape_cast %get3A_101 : vector<1x16xf32> to vector<16xf32>
        %max3A = arith.constant 0.000000e+00 : f32
        %max3A_103 = vector.broadcast %max3A : f32 to vector<16xf32>
        %max3A_104 = arith.maximumf %get3A_102, %max3A_103 : vector<16xf32>
        %add3A_105 = arith.addf %scan3A_92, %max3A_104 : vector<16xf32>
        %get3A_106 = arith.index_cast %scan3A_91 : i32 to index
        %get3A_107 = arith.constant 16 : index
        %get3A_108 = tpu.vector_load %arg5[%get3A_106, %get3A_107] {strides = array<i32>} : memref<32x1024xf32, #tpu.memory_space<vmem>>, vector<1x16xf32>,
        %get3A_109 = vector.shape_cast %get3A_108 : vector<1x16xf32> to vector<16xf32>
        %max3A_110 = arith.constant 0.000000e+00 : f32
        %max3A_111 = vector.broadcast %max3A_110 : f32 to vector<16xf32>
        %max3A_112 = arith.maximumf %get3A_109, %max3A_111 : vector<16xf32>
        %add3A_113 = arith.addf %scan3A_93, %max3A_112 : vector<16xf32>
        %get3A_114 = arith.index_cast %scan3A_91 : i32 to index
        %get3A_115 = arith.constant 32 : index
        %get3A_116 = tpu.vector_load %arg5[%get3A_114, %get3A_115] {strides = array<i32>} : memref<32x1024xf32, #tpu.memory_space<vmem>>, vector<1x16xf32>,
        %get3A_117 = vector.shape_cast %get3A_116 : vector<1x16xf32> to vector<16xf32>
        %max3A_118 = arith.constant 0.000000e+00 : f32
        %max3A_119 = vector.broadcast %max3A_118 : f32 to vector<16xf32>
        %max3A_120 = arith.maximumf %get3A_117, %max3A_119 : vector<16xf32>
        %add3A_121 = arith.addf %scan3A_94, %max3A_120 : vector<16xf32>
        %get3A_122 = arith.index_cast %scan3A_91 : i32 to index
        %get3A_123 = arith.constant 48 : index
        %get3A_124 = tpu.vector_load %arg5[%get3A_122, %get3A_123] {strides = array<i32>} : memref<32x1024xf32, #tpu.memory_space<vmem>>, vector<1x16xf32>,
        %get3A_125 = vector.shape_cast %get3A_124 : vector<1x16xf32> to vector<16xf32>
        %max3A_126 = arith.constant 0.000000e+00 : f32
        %max3A_127 = vector.broadcast %max3A_126 : f32 to vector<16xf32>
        %max3A_128 = arith.maximumf %get3A_125, %max3A_127 : vector<16xf32>
        %add3A_129 = arith.addf %scan3A_95, %max3A_128 : vector<16xf32>
        %get3A_130 = arith.index_cast %scan3A_91 : i32 to index
        %get3A_131 = arith.constant 64 : index
        %get3A_132 = tpu.vector_load %arg5[%get3A_130, %get3A_131] {strides = array<i32>} : memref<32x1024xf32, #tpu.memory_space<vmem>>, vector<1x16xf32>,
        %get3A_133 = vector.shape_cast %get3A_132 : vector<1x16xf32> to vector<16xf32>
        %max3A_134 = arith.constant 0.000000e+00 : f32
        %max3A_135 = vector.broadcast %max3A_134 : f32 to vector<16xf32>
        %max3A_136 = arith.maximumf %get3A_133, %max3A_135 : vector<16xf32>
        %add3A_137 = arith.addf %scan3A_96, %max3A_136 : vector<16xf32>
        %get3A_138 = arith.index_cast %scan3A_91 : i32 to index
        %get3A_139 = arith.constant 80 : index
        %get3A_140 = tpu.vector_load %arg5[%get3A_138, %get3A_139] {strides = array<i32>} : memref<32x1024xf32, #tpu.memory_space<vmem>>, vector<1x16xf32>,
        %get3A_141 = vector.shape_cast %get3A_140 : vector<1x16xf32> to vector<16xf32>
        %max3A_142 = arith.constant 0.000000e+00 : f32
        %max3A_143 = vector.broadcast %max3A_142 : f32 to vector<16xf32>
        %max3A_144 = arith.maximumf %get3A_141, %max3A_143 : vector<16xf32>
        %add3A_145 = arith.addf %scan3A_97, %max3A_144 : vector<16xf32>
        %get3A_146 = arith.index_cast %scan3A_91 : i32 to index
        %get3A_147 = arith.constant 96 : index
        %get3A_148 = tpu.vector_load %arg5[%get3A_146, %get3A_147] {strides = array<i32>} : memref<32x1024xf32, #tpu.memory_space<vmem>>, vector<1x16xf32>,
        %get3A_149 = vector.shape_cast %get3A_148 : vector<1x16xf32> to vector<16xf32>
        %max3A_150 = arith.constant 0.000000e+00 : f32
        %max3A_151 = vector.broadcast %max3A_150 : f32 to vector<16xf32>
        %max3A_152 = arith.maximumf %get3A_149, %max3A_151 : vector<16xf32>
        %add3A_153 = arith.addf %scan3A_98, %max3A_152 : vector<16xf32>
        %get3A_154 = arith.index_cast %scan3A_91 : i32 to index
        %get3A_155 = arith.constant 112 : index
        %get3A_156 = tpu.vector_load %arg5[%get3A_154, %get3A_155] {strides = array<i32>} : memref<32x1024xf32, #tpu.memory_space<vmem>>, vector<1x16xf32>,
        %get3A_157 = vector.shape_cast %get3A_156 : vector<1x16xf32> to vector<16xf32>
        %max3A_158 = arith.constant 0.000000e+00 : f32
        %max3A_159 = vector.broadcast %max3A_158 : f32 to vector<16xf32>
        %max3A_160 = arith.maximumf %get3A_157, %max3A_159 : vector<16xf32>
        %add3A_161 = arith.addf %scan3A_99, %max3A_160 : vector<16xf32>
        %get3A_162 = arith.index_cast %scan3A_91 : i32 to index
        %get3A_163 = arith.constant 128 : index
        %get3A_164 = tpu.vector_load %arg5[%get3A_162, %get3A_163] {strides = array<i32>} : memref<32x1024xf32, #tpu.memory_space<vmem>>, vector<1x16xf32>,
        %get3A_165 = vector.shape_cast %get3A_164 : vector<1x16xf32> to vector<16xf32>
        %max3A_166 = arith.constant 0.000000e+00 : f32
        %max3A_167 = vector.broadcast %max3A_166 : f32 to vector<16xf32>
        %max3A_168 = arith.maximumf %get3A_165, %max3A_167 : vector<16xf32>
        %add3A_169 = arith.addf %add3A_105, %max3A_168 : vector<16xf32>
        %get3A_170 = arith.index_cast %scan3A_91 : i32 to index
        %get3A_171 = arith.constant 144 : index
        %get3A_172 = tpu.vector_load %arg5[%get3A_170, %get3A_171] {strides = array<i32>} : memref<32x1024xf32, #tpu.memory_space<vmem>>, vector<1x16xf32>,
        %get3A_173 = vector.shape_cast %get3A_172 : vector<1x16xf32> to vector<16xf32>
        %max3A_174 = arith.constant 0.000000e+00 : f32
        %max3A_175 = vector.broadcast %max3A_174 : f32 to vector<16xf32>
        %max3A_176 = arith.maximumf %get3A_173, %max3A_175 : vector<16xf32>
        %add3A_177 = arith.addf %add3A_113, %max3A_176 : vector<16xf32>
        %get3A_178 = arith.index_cast %scan3A_91 : i32 to index
        %get3A_179 = arith.constant 160 : index
        %get3A_180 = tpu.vector_load %arg5[%get3A_178, %get3A_179] {strides = array<i32>} : memref<32x1024xf32, #tpu.memory_space<vmem>>, vector<1x16xf32>,
        %get3A_181 = vector.shape_cast %get3A_180 : vector<1x16xf32> to vector<16xf32>
        %max3A_182 = arith.constant 0.000000e+00 : f32
        %max3A_183 = vector.broadcast %max3A_182 : f32 to vector<16xf32>
        %max3A_184 = arith.maximumf %get3A_181, %max3A_183 : vector<16xf32>
        %add3A_185 = arith.addf %add3A_121, %max3A_184 : vector<16xf32>
        %get3A_186 = arith.index_cast %scan3A_91 : i32 to index
        %get3A_187 = arith.constant 176 : index
        %get3A_188 = tpu.vector_load %arg5[%get3A_186, %get3A_187] {strides = array<i32>} : memref<32x1024xf32, #tpu.memory_space<vmem>>, vector<1x16xf32>,
        %get3A_189 = vector.shape_cast %get3A_188 : vector<1x16xf32> to vector<16xf32>
        %max3A_190 = arith.constant 0.000000e+00 : f32
        %max3A_191 = vector.broadcast %max3A_190 : f32 to vector<16xf32>
        %max3A_192 = arith.maximumf %get3A_189, %max3A_191 : vector<16xf32>
        %add3A_193 = arith.addf %add3A_129, %max3A_192 : vector<16xf32>
        %get3A_194 = arith.index_cast %scan3A_91 : i32 to index
        %get3A_195 = arith.constant 192 : index
        %get3A_196 = tpu.vector_load %arg5[%get3A_194, %get3A_195] {strides = array<i32>} : memref<32x1024xf32, #tpu.memory_space<vmem>>, vector<1x16xf32>,
        %get3A_197 = vector.shape_cast %get3A_196 : vector<1x16xf32> to vector<16xf32>
        %max3A_198 = arith.constant 0.000000e+00 : f32
        %max3A_199 = vector.broadcast %max3A_198 : f32 to vector<16xf32>
        %max3A_200 = arith.maximumf %get3A_197, %max3A_199 : vector<16xf32>
        %add3A_201 = arith.addf %add3A_137, %max3A_200 : vector<16xf32>
        %get3A_202 = arith.index_cast %scan3A_91 : i32 to index
        %get3A_203 = arith.constant 208 : index
        %get3A_204 = tpu.vector_load %arg5[%get3A_202, %get3A_203] {strides = array<i32>} : memref<32x1024xf32, #tpu.memory_space<vmem>>, vector<1x16xf32>,
        %get3A_205 = vector.shape_cast %get3A_204 : vector<1x16xf32> to vector<16xf32>
        %max3A_206 = arith.constant 0.000000e+00 : f32
        %max3A_207 = vector.broadcast %max3A_206 : f32 to vector<16xf32>
        %max3A_208 = arith.maximumf %get3A_205, %max3A_207 : vector<16xf32>
        %add3A_209 = arith.addf %add3A_145, %max3A_208 : vector<16xf32>
        %get3A_210 = arith.index_cast %scan3A_91 : i32 to index
        %get3A_211 = arith.constant 224 : index
        %get3A_212 = tpu.vector_load %arg5[%get3A_210, %get3A_211] {strides = array<i32>} : memref<32x1024xf32, #tpu.memory_space<vmem>>, vector<1x16xf32>,
        %get3A_213 = vector.shape_cast %get3A_212 : vector<1x16xf32> to vector<16xf32>
        %max3A_214 = arith.constant 0.000000e+00 : f32
        %max3A_215 = vector.broadcast %max3A_214 : f32 to vector<16xf32>
        %max3A_216 = arith.maximumf %get3A_213, %max3A_215 : vector<16xf32>
        %add3A_217 = arith.addf %add3A_153, %max3A_216 : vector<16xf32>
        %get3A_218 = arith.index_cast %scan3A_91 : i32 to index
        %get3A_219 = arith.constant 240 : index
        %get3A_220 = tpu.vector_load %arg5[%get3A_218, %get3A_219] {strides = array<i32>} : memref<32x1024xf32, #tpu.memory_space<vmem>>, vector<1x16xf32>,
        %get3A_221 = vector.shape_cast %get3A_220 : vector<1x16xf32> to vector<16xf32>
        %max3A_222 = arith.constant 0.000000e+00 : f32
        %max3A_223 = vector.broadcast %max3A_222 : f32 to vector<16xf32>
        %max3A_224 = arith.maximumf %get3A_221, %max3A_223 : vector<16xf32>
        %add3A_225 = arith.addf %add3A_161, %max3A_224 : vector<16xf32>
        %get3A_226 = arith.index_cast %scan3A_91 : i32 to index
        %get3A_227 = arith.constant 256 : index
        %get3A_228 = tpu.vector_load %arg5[%get3A_226, %get3A_227] {strides = array<i32>} : memref<32x1024xf32, #tpu.memory_space<vmem>>, vector<1x16xf32>,
        %get3A_229 = vector.shape_cast %get3A_228 : vector<1x16xf32> to vector<16xf32>
        %max3A_230 = arith.constant 0.000000e+00 : f32
        %max3A_231 = vector.broadcast %max3A_230 : f32 to vector<16xf32>
        %max3A_232 = arith.maximumf %get3A_229, %max3A_231 : vector<16xf32>
        %add3A_233 = arith.addf %add3A_169, %max3A_232 : vector<16xf32>
        %get3A_234 = arith.index_cast %scan3A_91 : i32 to index
        %get3A_235 = arith.constant 272 : index
        %get3A_236 = tpu.vector_load %arg5[%get3A_234, %get3A_235] {strides = array<i32>} : memref<32x1024xf32, #tpu.memory_space<vmem>>, vector<1x16xf32>,
        %get3A_237 = vector.shape_cast %get3A_236 : vector<1x16xf32> to vector<16xf32>
        %max3A_238 = arith.constant 0.000000e+00 : f32
        %max3A_239 = vector.broadcast %max3A_238 : f32 to vector<16xf32>
        %max3A_240 = arith.maximumf %get3A_237, %max3A_239 : vector<16xf32>
        %add3A_241 = arith.addf %add3A_177, %max3A_240 : vector<16xf32>
        %get3A_242 = arith.index_cast %scan3A_91 : i32 to index
        %get3A_243 = arith.constant 288 : index
        %get3A_244 = tpu.vector_load %arg5[%get3A_242, %get3A_243] {strides = array<i32>} : memref<32x1024xf32, #tpu.memory_space<vmem>>, vector<1x16xf32>,
        %get3A_245 = vector.shape_cast %get3A_244 : vector<1x16xf32> to vector<16xf32>
        %max3A_246 = arith.constant 0.000000e+00 : f32
        %max3A_247 = vector.broadcast %max3A_246 : f32 to vector<16xf32>
        %max3A_248 = arith.maximumf %get3A_245, %max3A_247 : vector<16xf32>
        %add3A_249 = arith.addf %add3A_185, %max3A_248 : vector<16xf32>
        %get3A_250 = arith.index_cast %scan3A_91 : i32 to index
        %get3A_251 = arith.constant 304 : index
        %get3A_252 = tpu.vector_load %arg5[%get3A_250, %get3A_251] {strides = array<i32>} : memref<32x1024xf32, #tpu.memory_space<vmem>>, vector<1x16xf32>,
        %get3A_253 = vector.shape_cast %get3A_252 : vector<1x16xf32> to vector<16xf32>
        %max3A_254 = arith.constant 0.000000e+00 : f32
        %max3A_255 = vector.broadcast %max3A_254 : f32 to vector<16xf32>
        %max3A_256 = arith.maximumf %get3A_253, %max3A_255 : vector<16xf32>
        %add3A_257 = arith.addf %add3A_193, %max3A_256 : vector<16xf32>
        %get3A_258 = arith.index_cast %scan3A_91 : i32 to index
        %get3A_259 = arith.constant 320 : index
        %get3A_260 = tpu.vector_load %arg5[%get3A_258, %get3A_259] {strides = array<i32>} : memref<32x1024xf32, #tpu.memory_space<vmem>>, vector<1x16xf32>,
        %get3A_261 = vector.shape_cast %get3A_260 : vector<1x16xf32> to vector<16xf32>
        %max3A_262 = arith.constant 0.000000e+00 : f32
        %max3A_263 = vector.broadcast %max3A_262 : f32 to vector<16xf32>
        %max3A_264 = arith.maximumf %get3A_261, %max3A_263 : vector<16xf32>
        %add3A_265 = arith.addf %add3A_201, %max3A_264 : vector<16xf32>
        %get3A_266 = arith.index_cast %scan3A_91 : i32 to index
        %get3A_267 = arith.constant 336 : index
        %get3A_268 = tpu.vector_load %arg5[%get3A_266, %get3A_267] {strides = array<i32>} : memref<32x1024xf32, #tpu.memory_space<vmem>>, vector<1x16xf32>,
        %get3A_269 = vector.shape_cast %get3A_268 : vector<1x16xf32> to vector<16xf32>
        %max3A_270 = arith.constant 0.000000e+00 : f32
        %max3A_271 = vector.broadcast %max3A_270 : f32 to vector<16xf32>
        %max3A_272 = arith.maximumf %get3A_269, %max3A_271 : vector<16xf32>
        %add3A_273 = arith.addf %add3A_209, %max3A_272 : vector<16xf32>
        %get3A_274 = arith.index_cast %scan3A_91 : i32 to index
        %get3A_275 = arith.constant 352 : index
        %get3A_276 = tpu.vector_load %arg5[%get3A_274, %get3A_275] {strides = array<i32>} : memref<32x1024xf32, #tpu.memory_space<vmem>>, vector<1x16xf32>,
        %get3A_277 = vector.shape_cast %get3A_276 : vector<1x16xf32> to vector<16xf32>
        %max3A_278 = arith.constant 0.000000e+00 : f32
        %max3A_279 = vector.broadcast %max3A_278 : f32 to vector<16xf32>
        %max3A_280 = arith.maximumf %get3A_277, %max3A_279 : vector<16xf32>
        %add3A_281 = arith.addf %add3A_217, %max3A_280 : vector<16xf32>
        %get3A_282 = arith.index_cast %scan3A_91 : i32 to index
        %get3A_283 = arith.constant 368 : index
        %get3A_284 = tpu.vector_load %arg5[%get3A_282, %get3A_283] {strides = array<i32>} : memref<32x1024xf32, #tpu.memory_space<vmem>>, vector<1x16xf32>,
        %get3A_285 = vector.shape_cast %get3A_284 : vector<1x16xf32> to vector<16xf32>
        %max3A_286 = arith.constant 0.000000e+00 : f32
        %max3A_287 = vector.broadcast %max3A_286 : f32 to vector<16xf32>
        %max3A_288 = arith.maximumf %get3A_285, %max3A_287 : vector<16xf32>
        %add3A_289 = arith.addf %add3A_225, %max3A_288 : vector<16xf32>
        %get3A_290 = arith.index_cast %scan3A_91 : i32 to index
        %get3A_291 = arith.constant 384 : index
        %get3A_292 = tpu.vector_load %arg5[%get3A_290, %get3A_291] {strides = array<i32>} : memref<32x1024xf32, #tpu.memory_space<vmem>>, vector<1x16xf32>,
        %get3A_293 = vector.shape_cast %get3A_292 : vector<1x16xf32> to vector<16xf32>
        %max3A_294 = arith.constant 0.000000e+00 : f32
        %max3A_295 = vector.broadcast %max3A_294 : f32 to vector<16xf32>
        %max3A_296 = arith.maximumf %get3A_293, %max3A_295 : vector<16xf32>
        %add3A_297 = arith.addf %add3A_233, %max3A_296 : vector<16xf32>
        %get3A_298 = arith.index_cast %scan3A_91 : i32 to index
        %get3A_299 = arith.constant 400 : index
        %get3A_300 = tpu.vector_load %arg5[%get3A_298, %get3A_299] {strides = array<i32>} : memref<32x1024xf32, #tpu.memory_space<vmem>>, vector<1x16xf32>,
        %get3A_301 = vector.shape_cast %get3A_300 : vector<1x16xf32> to vector<16xf32>
        %max3A_302 = arith.constant 0.000000e+00 : f32
        %max3A_303 = vector.broadcast %max3A_302 : f32 to vector<16xf32>
        %max3A_304 = arith.maximumf %get3A_301, %max3A_303 : vector<16xf32>
        %add3A_305 = arith.addf %add3A_241, %max3A_304 : vector<16xf32>
        %get3A_306 = arith.index_cast %scan3A_91 : i32 to index
        %get3A_307 = arith.constant 416 : index
        %get3A_308 = tpu.vector_load %arg5[%get3A_306, %get3A_307] {strides = array<i32>} : memref<32x1024xf32, #tpu.memory_space<vmem>>, vector<1x16xf32>,
        %get3A_309 = vector.shape_cast %get3A_308 : vector<1x16xf32> to vector<16xf32>
        %max3A_310 = arith.constant 0.000000e+00 : f32
        %max3A_311 = vector.broadcast %max3A_310 : f32 to vector<16xf32>
        %max3A_312 = arith.maximumf %get3A_309, %max3A_311 : vector<16xf32>
        %add3A_313 = arith.addf %add3A_249, %max3A_312 : vector<16xf32>
        %get3A_314 = arith.index_cast %scan3A_91 : i32 to index
        %get3A_315 = arith.constant 432 : index
        %get3A_316 = tpu.vector_load %arg5[%get3A_314, %get3A_315] {strides = array<i32>} : memref<32x1024xf32, #tpu.memory_space<vmem>>, vector<1x16xf32>,
        %get3A_317 = vector.shape_cast %get3A_316 : vector<1x16xf32> to vector<16xf32>
        %max3A_318 = arith.constant 0.000000e+00 : f32
        %max3A_319 = vector.broadcast %max3A_318 : f32 to vector<16xf32>
        %max3A_320 = arith.maximumf %get3A_317, %max3A_319 : vector<16xf32>
        %add3A_321 = arith.addf %add3A_257, %max3A_320 : vector<16xf32>
        %get3A_322 = arith.index_cast %scan3A_91 : i32 to index
        %get3A_323 = arith.constant 448 : index
        %get3A_324 = tpu.vector_load %arg5[%get3A_322, %get3A_323] {strides = array<i32>} : memref<32x1024xf32, #tpu.memory_space<vmem>>, vector<1x16xf32>,
        %get3A_325 = vector.shape_cast %get3A_324 : vector<1x16xf32> to vector<16xf32>
        %max3A_326 = arith.constant 0.000000e+00 : f32
        %max3A_327 = vector.broadcast %max3A_326 : f32 to vector<16xf32>
        %max3A_328 = arith.maximumf %get3A_325, %max3A_327 : vector<16xf32>
        %add3A_329 = arith.addf %add3A_265, %max3A_328 : vector<16xf32>
        %get3A_330 = arith.index_cast %scan3A_91 : i32 to index
        %get3A_331 = arith.constant 464 : index
        %get3A_332 = tpu.vector_load %arg5[%get3A_330, %get3A_331] {strides = array<i32>} : memref<32x1024xf32, #tpu.memory_space<vmem>>, vector<1x16xf32>,
        %get3A_333 = vector.shape_cast %get3A_332 : vector<1x16xf32> to vector<16xf32>
        %max3A_334 = arith.constant 0.000000e+00 : f32
        %max3A_335 = vector.broadcast %max3A_334 : f32 to vector<16xf32>
        %max3A_336 = arith.maximumf %get3A_333, %max3A_335 : vector<16xf32>
        %add3A_337 = arith.addf %add3A_273, %max3A_336 : vector<16xf32>
        %get3A_338 = arith.index_cast %scan3A_91 : i32 to index
        %get3A_339 = arith.constant 480 : index
        %get3A_340 = tpu.vector_load %arg5[%get3A_338, %get3A_339] {strides = array<i32>} : memref<32x1024xf32, #tpu.memory_space<vmem>>, vector<1x16xf32>,
        %get3A_341 = vector.shape_cast %get3A_340 : vector<1x16xf32> to vector<16xf32>
        %max3A_342 = arith.constant 0.000000e+00 : f32
        %max3A_343 = vector.broadcast %max3A_342 : f32 to vector<16xf32>
        %max3A_344 = arith.maximumf %get3A_341, %max3A_343 : vector<16xf32>
        %add3A_345 = arith.addf %add3A_281, %max3A_344 : vector<16xf32>
        %get3A_346 = arith.index_cast %scan3A_91 : i32 to index
        %get3A_347 = arith.constant 496 : index
        %get3A_348 = tpu.vector_load %arg5[%get3A_346, %get3A_347] {strides = array<i32>} : memref<32x1024xf32, #tpu.memory_space<vmem>>, vector<1x16xf32>,
        %get3A_349 = vector.shape_cast %get3A_348 : vector<1x16xf32> to vector<16xf32>
        %max3A_350 = arith.constant 0.000000e+00 : f32
        %max3A_351 = vector.broadcast %max3A_350 : f32 to vector<16xf32>
        %max3A_352 = arith.maximumf %get3A_349, %max3A_351 : vector<16xf32>
        %add3A_353 = arith.addf %add3A_289, %max3A_352 : vector<16xf32>
        %get3A_354 = arith.index_cast %scan3A_91 : i32 to index
        %get3A_355 = arith.constant 512 : index
        %get3A_356 = tpu.vector_load %arg5[%get3A_354, %get3A_355] {strides = array<i32>} : memref<32x1024xf32, #tpu.memory_space<vmem>>, vector<1x16xf32>,
        %get3A_357 = vector.shape_cast %get3A_356 : vector<1x16xf32> to vector<16xf32>
        %max3A_358 = arith.constant 0.000000e+00 : f32
        %max3A_359 = vector.broadcast %max3A_358 : f32 to vector<16xf32>
        %max3A_360 = arith.maximumf %get3A_357, %max3A_359 : vector<16xf32>
        %add3A_361 = arith.addf %add3A_297, %max3A_360 : vector<16xf32>
        %get3A_362 = arith.index_cast %scan3A_91 : i32 to index
        %get3A_363 = arith.constant 528 : index
        %get3A_364 = tpu.vector_load %arg5[%get3A_362, %get3A_363] {strides = array<i32>} : memref<32x1024xf32, #tpu.memory_space<vmem>>, vector<1x16xf32>,
        %get3A_365 = vector.shape_cast %get3A_364 : vector<1x16xf32> to vector<16xf32>
        %max3A_366 = arith.constant 0.000000e+00 : f32
        %max3A_367 = vector.broadcast %max3A_366 : f32 to vector<16xf32>
        %max3A_368 = arith.maximumf %get3A_365, %max3A_367 : vector<16xf32>
        %add3A_369 = arith.addf %add3A_305, %max3A_368 : vector<16xf32>
        %get3A_370 = arith.index_cast %scan3A_91 : i32 to index
        %get3A_371 = arith.constant 544 : index
        %get3A_372 = tpu.vector_load %arg5[%get3A_370, %get3A_371] {strides = array<i32>} : memref<32x1024xf32, #tpu.memory_space<vmem>>, vector<1x16xf32>,
        %get3A_373 = vector.shape_cast %get3A_372 : vector<1x16xf32> to vector<16xf32>
        %max3A_374 = arith.constant 0.000000e+00 : f32
        %max3A_375 = vector.broadcast %max3A_374 : f32 to vector<16xf32>
        %max3A_376 = arith.maximumf %get3A_373, %max3A_375 : vector<16xf32>
        %add3A_377 = arith.addf %add3A_313, %max3A_376 : vector<16xf32>
        %get3A_378 = arith.index_cast %scan3A_91 : i32 to index
        %get3A_379 = arith.constant 560 : index
        %get3A_380 = tpu.vector_load %arg5[%get3A_378, %get3A_379] {strides = array<i32>} : memref<32x1024xf32, #tpu.memory_space<vmem>>, vector<1x16xf32>,
        %get3A_381 = vector.shape_cast %get3A_380 : vector<1x16xf32> to vector<16xf32>
        %max3A_382 = arith.constant 0.000000e+00 : f32
        %max3A_383 = vector.broadcast %max3A_382 : f32 to vector<16xf32>
        %max3A_384 = arith.maximumf %get3A_381, %max3A_383 : vector<16xf32>
        %add3A_385 = arith.addf %add3A_321, %max3A_384 : vector<16xf32>
        %get3A_386 = arith.index_cast %scan3A_91 : i32 to index
        %get3A_387 = arith.constant 576 : index
        %get3A_388 = tpu.vector_load %arg5[%get3A_386, %get3A_387] {strides = array<i32>} : memref<32x1024xf32, #tpu.memory_space<vmem>>, vector<1x16xf32>,
        %get3A_389 = vector.shape_cast %get3A_388 : vector<1x16xf32> to vector<16xf32>
        %max3A_390 = arith.constant 0.000000e+00 : f32
        %max3A_391 = vector.broadcast %max3A_390 : f32 to vector<16xf32>
        %max3A_392 = arith.maximumf %get3A_389, %max3A_391 : vector<16xf32>
        %add3A_393 = arith.addf %add3A_329, %max3A_392 : vector<16xf32>
        %get3A_394 = arith.index_cast %scan3A_91 : i32 to index
        %get3A_395 = arith.constant 592 : index
        %get3A_396 = tpu.vector_load %arg5[%get3A_394, %get3A_395] {strides = array<i32>} : memref<32x1024xf32, #tpu.memory_space<vmem>>, vector<1x16xf32>,
        %get3A_397 = vector.shape_cast %get3A_396 : vector<1x16xf32> to vector<16xf32>
        %max3A_398 = arith.constant 0.000000e+00 : f32
        %max3A_399 = vector.broadcast %max3A_398 : f32 to vector<16xf32>
        %max3A_400 = arith.maximumf %get3A_397, %max3A_399 : vector<16xf32>
        %add3A_401 = arith.addf %add3A_337, %max3A_400 : vector<16xf32>
        %get3A_402 = arith.index_cast %scan3A_91 : i32 to index
        %get3A_403 = arith.constant 608 : index
        %get3A_404 = tpu.vector_load %arg5[%get3A_402, %get3A_403] {strides = array<i32>} : memref<32x1024xf32, #tpu.memory_space<vmem>>, vector<1x16xf32>,
        %get3A_405 = vector.shape_cast %get3A_404 : vector<1x16xf32> to vector<16xf32>
        %max3A_406 = arith.constant 0.000000e+00 : f32
        %max3A_407 = vector.broadcast %max3A_406 : f32 to vector<16xf32>
        %max3A_408 = arith.maximumf %get3A_405, %max3A_407 : vector<16xf32>
        %add3A_409 = arith.addf %add3A_345, %max3A_408 : vector<16xf32>
        %get3A_410 = arith.index_cast %scan3A_91 : i32 to index
        %get3A_411 = arith.constant 624 : index
        %get3A_412 = tpu.vector_load %arg5[%get3A_410, %get3A_411] {strides = array<i32>} : memref<32x1024xf32, #tpu.memory_space<vmem>>, vector<1x16xf32>,
        %get3A_413 = vector.shape_cast %get3A_412 : vector<1x16xf32> to vector<16xf32>
        %max3A_414 = arith.constant 0.000000e+00 : f32
        %max3A_415 = vector.broadcast %max3A_414 : f32 to vector<16xf32>
        %max3A_416 = arith.maximumf %get3A_413, %max3A_415 : vector<16xf32>
        %add3A_417 = arith.addf %add3A_353, %max3A_416 : vector<16xf32>
        %get3A_418 = arith.index_cast %scan3A_91 : i32 to index
        %get3A_419 = arith.constant 640 : index
        %get3A_420 = tpu.vector_load %arg5[%get3A_418, %get3A_419] {strides = array<i32>} : memref<32x1024xf32, #tpu.memory_space<vmem>>, vector<1x16xf32>,
        %get3A_421 = vector.shape_cast %get3A_420 : vector<1x16xf32> to vector<16xf32>
        %max3A_422 = arith.constant 0.000000e+00 : f32
        %max3A_423 = vector.broadcast %max3A_422 : f32 to vector<16xf32>
        %max3A_424 = arith.maximumf %get3A_421, %max3A_423 : vector<16xf32>
        %add3A_425 = arith.addf %add3A_361, %max3A_424 : vector<16xf32>
        %get3A_426 = arith.index_cast %scan3A_91 : i32 to index
        %get3A_427 = arith.constant 656 : index
        %get3A_428 = tpu.vector_load %arg5[%get3A_426, %get3A_427] {strides = array<i32>} : memref<32x1024xf32, #tpu.memory_space<vmem>>, vector<1x16xf32>,
        %get3A_429 = vector.shape_cast %get3A_428 : vector<1x16xf32> to vector<16xf32>
        %max3A_430 = arith.constant 0.000000e+00 : f32
        %max3A_431 = vector.broadcast %max3A_430 : f32 to vector<16xf32>
        %max3A_432 = arith.maximumf %get3A_429, %max3A_431 : vector<16xf32>
        %add3A_433 = arith.addf %add3A_369, %max3A_432 : vector<16xf32>
        %get3A_434 = arith.index_cast %scan3A_91 : i32 to index
        %get3A_435 = arith.constant 672 : index
        %get3A_436 = tpu.vector_load %arg5[%get3A_434, %get3A_435] {strides = array<i32>} : memref<32x1024xf32, #tpu.memory_space<vmem>>, vector<1x16xf32>,
        %get3A_437 = vector.shape_cast %get3A_436 : vector<1x16xf32> to vector<16xf32>
        %max3A_438 = arith.constant 0.000000e+00 : f32
        %max3A_439 = vector.broadcast %max3A_438 : f32 to vector<16xf32>
        %max3A_440 = arith.maximumf %get3A_437, %max3A_439 : vector<16xf32>
        %add3A_441 = arith.addf %add3A_377, %max3A_440 : vector<16xf32>
        %get3A_442 = arith.index_cast %scan3A_91 : i32 to index
        %get3A_443 = arith.constant 688 : index
        %get3A_444 = tpu.vector_load %arg5[%get3A_442, %get3A_443] {strides = array<i32>} : memref<32x1024xf32, #tpu.memory_space<vmem>>, vector<1x16xf32>,
        %get3A_445 = vector.shape_cast %get3A_444 : vector<1x16xf32> to vector<16xf32>
        %max3A_446 = arith.constant 0.000000e+00 : f32
        %max3A_447 = vector.broadcast %max3A_446 : f32 to vector<16xf32>
        %max3A_448 = arith.maximumf %get3A_445, %max3A_447 : vector<16xf32>
        %add3A_449 = arith.addf %add3A_385, %max3A_448 : vector<16xf32>
        %get3A_450 = arith.index_cast %scan3A_91 : i32 to index
        %get3A_451 = arith.constant 704 : index
        %get3A_452 = tpu.vector_load %arg5[%get3A_450, %get3A_451] {strides = array<i32>} : memref<32x1024xf32, #tpu.memory_space<vmem>>, vector<1x16xf32>,
        %get3A_453 = vector.shape_cast %get3A_452 : vector<1x16xf32> to vector<16xf32>
        %max3A_454 = arith.constant 0.000000e+00 : f32
        %max3A_455 = vector.broadcast %max3A_454 : f32 to vector<16xf32>
        %max3A_456 = arith.maximumf %get3A_453, %max3A_455 : vector<16xf32>
        %add3A_457 = arith.addf %add3A_393, %max3A_456 : vector<16xf32>
        %get3A_458 = arith.index_cast %scan3A_91 : i32 to index
        %get3A_459 = arith.constant 720 : index
        %get3A_460 = tpu.vector_load %arg5[%get3A_458, %get3A_459] {strides = array<i32>} : memref<32x1024xf32, #tpu.memory_space<vmem>>, vector<1x16xf32>,
        %get3A_461 = vector.shape_cast %get3A_460 : vector<1x16xf32> to vector<16xf32>
        %max3A_462 = arith.constant 0.000000e+00 : f32
        %max3A_463 = vector.broadcast %max3A_462 : f32 to vector<16xf32>
        %max3A_464 = arith.maximumf %get3A_461, %max3A_463 : vector<16xf32>
        %add3A_465 = arith.addf %add3A_401, %max3A_464 : vector<16xf32>
        %get3A_466 = arith.index_cast %scan3A_91 : i32 to index
        %get3A_467 = arith.constant 736 : index
        %get3A_468 = tpu.vector_load %arg5[%get3A_466, %get3A_467] {strides = array<i32>} : memref<32x1024xf32, #tpu.memory_space<vmem>>, vector<1x16xf32>,
        %get3A_469 = vector.shape_cast %get3A_468 : vector<1x16xf32> to vector<16xf32>
        %max3A_470 = arith.constant 0.000000e+00 : f32
        %max3A_471 = vector.broadcast %max3A_470 : f32 to vector<16xf32>
        %max3A_472 = arith.maximumf %get3A_469, %max3A_471 : vector<16xf32>
        %add3A_473 = arith.addf %add3A_409, %max3A_472 : vector<16xf32>
        %get3A_474 = arith.index_cast %scan3A_91 : i32 to index
        %get3A_475 = arith.constant 752 : index
        %get3A_476 = tpu.vector_load %arg5[%get3A_474, %get3A_475] {strides = array<i32>} : memref<32x1024xf32, #tpu.memory_space<vmem>>, vector<1x16xf32>,
        %get3A_477 = vector.shape_cast %get3A_476 : vector<1x16xf32> to vector<16xf32>
        %max3A_478 = arith.constant 0.000000e+00 : f32
        %max3A_479 = vector.broadcast %max3A_478 : f32 to vector<16xf32>
        %max3A_480 = arith.maximumf %get3A_477, %max3A_479 : vector<16xf32>
        %add3A_481 = arith.addf %add3A_417, %max3A_480 : vector<16xf32>
        %get3A_482 = arith.index_cast %scan3A_91 : i32 to index
        %get3A_483 = arith.constant 768 : index
        %get3A_484 = tpu.vector_load %arg5[%get3A_482, %get3A_483] {strides = array<i32>} : memref<32x1024xf32, #tpu.memory_space<vmem>>, vector<1x16xf32>,
        %get3A_485 = vector.shape_cast %get3A_484 : vector<1x16xf32> to vector<16xf32>
        %max3A_486 = arith.constant 0.000000e+00 : f32
        %max3A_487 = vector.broadcast %max3A_486 : f32 to vector<16xf32>
        %max3A_488 = arith.maximumf %get3A_485, %max3A_487 : vector<16xf32>
        %add3A_489 = arith.addf %add3A_425, %max3A_488 : vector<16xf32>
        %get3A_490 = arith.index_cast %scan3A_91 : i32 to index
        %get3A_491 = arith.constant 784 : index
        %get3A_492 = tpu.vector_load %arg5[%get3A_490, %get3A_491] {strides = array<i32>} : memref<32x1024xf32, #tpu.memory_space<vmem>>, vector<1x16xf32>,
        %get3A_493 = vector.shape_cast %get3A_492 : vector<1x16xf32> to vector<16xf32>
        %max3A_494 = arith.constant 0.000000e+00 : f32
        %max3A_495 = vector.broadcast %max3A_494 : f32 to vector<16xf32>
        %max3A_496 = arith.maximumf %get3A_493, %max3A_495 : vector<16xf32>
        %add3A_497 = arith.addf %add3A_433, %max3A_496 : vector<16xf32>
        %get3A_498 = arith.index_cast %scan3A_91 : i32 to index
        %get3A_499 = arith.constant 800 : index
        %get3A_500 = tpu.vector_load %arg5[%get3A_498, %get3A_499] {strides = array<i32>} : memref<32x1024xf32, #tpu.memory_space<vmem>>, vector<1x16xf32>,
        %get3A_501 = vector.shape_cast %get3A_500 : vector<1x16xf32> to vector<16xf32>
        %max3A_502 = arith.constant 0.000000e+00 : f32
        %max3A_503 = vector.broadcast %max3A_502 : f32 to vector<16xf32>
        %max3A_504 = arith.maximumf %get3A_501, %max3A_503 : vector<16xf32>
        %add3A_505 = arith.addf %add3A_441, %max3A_504 : vector<16xf32>
        %get3A_506 = arith.index_cast %scan3A_91 : i32 to index
        %get3A_507 = arith.constant 816 : index
        %get3A_508 = tpu.vector_load %arg5[%get3A_506, %get3A_507] {strides = array<i32>} : memref<32x1024xf32, #tpu.memory_space<vmem>>, vector<1x16xf32>,
        %get3A_509 = vector.shape_cast %get3A_508 : vector<1x16xf32> to vector<16xf32>
        %max3A_510 = arith.constant 0.000000e+00 : f32
        %max3A_511 = vector.broadcast %max3A_510 : f32 to vector<16xf32>
        %max3A_512 = arith.maximumf %get3A_509, %max3A_511 : vector<16xf32>
        %add3A_513 = arith.addf %add3A_449, %max3A_512 : vector<16xf32>
        %get3A_514 = arith.index_cast %scan3A_91 : i32 to index
        %get3A_515 = arith.constant 832 : index
        %get3A_516 = tpu.vector_load %arg5[%get3A_514, %get3A_515] {strides = array<i32>} : memref<32x1024xf32, #tpu.memory_space<vmem>>, vector<1x16xf32>,
        %get3A_517 = vector.shape_cast %get3A_516 : vector<1x16xf32> to vector<16xf32>
        %max3A_518 = arith.constant 0.000000e+00 : f32
        %max3A_519 = vector.broadcast %max3A_518 : f32 to vector<16xf32>
        %max3A_520 = arith.maximumf %get3A_517, %max3A_519 : vector<16xf32>
        %add3A_521 = arith.addf %add3A_457, %max3A_520 : vector<16xf32>
        %get3A_522 = arith.index_cast %scan3A_91 : i32 to index
        %get3A_523 = arith.constant 848 : index
        %get3A_524 = tpu.vector_load %arg5[%get3A_522, %get3A_523] {strides = array<i32>} : memref<32x1024xf32, #tpu.memory_space<vmem>>, vector<1x16xf32>,
        %get3A_525 = vector.shape_cast %get3A_524 : vector<1x16xf32> to vector<16xf32>
        %max3A_526 = arith.constant 0.000000e+00 : f32
        %max3A_527 = vector.broadcast %max3A_526 : f32 to vector<16xf32>
        %max3A_528 = arith.maximumf %get3A_525, %max3A_527 : vector<16xf32>
        %add3A_529 = arith.addf %add3A_465, %max3A_528 : vector<16xf32>
        %get3A_530 = arith.index_cast %scan3A_91 : i32 to index
        %get3A_531 = arith.constant 864 : index
        %get3A_532 = tpu.vector_load %arg5[%get3A_530, %get3A_531] {strides = array<i32>} : memref<32x1024xf32, #tpu.memory_space<vmem>>, vector<1x16xf32>,
        %get3A_533 = vector.shape_cast %get3A_532 : vector<1x16xf32> to vector<16xf32>
        %max3A_534 = arith.constant 0.000000e+00 : f32
        %max3A_535 = vector.broadcast %max3A_534 : f32 to vector<16xf32>
        %max3A_536 = arith.maximumf %get3A_533, %max3A_535 : vector<16xf32>
        %add3A_537 = arith.addf %add3A_473, %max3A_536 : vector<16xf32>
        %get3A_538 = arith.index_cast %scan3A_91 : i32 to index
        %get3A_539 = arith.constant 880 : index
        %get3A_540 = tpu.vector_load %arg5[%get3A_538, %get3A_539] {strides = array<i32>} : memref<32x1024xf32, #tpu.memory_space<vmem>>, vector<1x16xf32>,
        %get3A_541 = vector.shape_cast %get3A_540 : vector<1x16xf32> to vector<16xf32>
        %max3A_542 = arith.constant 0.000000e+00 : f32
        %max3A_543 = vector.broadcast %max3A_542 : f32 to vector<16xf32>
        %max3A_544 = arith.maximumf %get3A_541, %max3A_543 : vector<16xf32>
        %add3A_545 = arith.addf %add3A_481, %max3A_544 : vector<16xf32>
        %get3A_546 = arith.index_cast %scan3A_91 : i32 to index
        %get3A_547 = arith.constant 896 : index
        %get3A_548 = tpu.vector_load %arg5[%get3A_546, %get3A_547] {strides = array<i32>} : memref<32x1024xf32, #tpu.memory_space<vmem>>, vector<1x16xf32>,
        %get3A_549 = vector.shape_cast %get3A_548 : vector<1x16xf32> to vector<16xf32>
        %max3A_550 = arith.constant 0.000000e+00 : f32
        %max3A_551 = vector.broadcast %max3A_550 : f32 to vector<16xf32>
        %max3A_552 = arith.maximumf %get3A_549, %max3A_551 : vector<16xf32>
        %add3A_553 = arith.addf %add3A_489, %max3A_552 : vector<16xf32>
        %get3A_554 = arith.index_cast %scan3A_91 : i32 to index
        %get3A_555 = arith.constant 912 : index
        %get3A_556 = tpu.vector_load %arg5[%get3A_554, %get3A_555] {strides = array<i32>} : memref<32x1024xf32, #tpu.memory_space<vmem>>, vector<1x16xf32>,
        %get3A_557 = vector.shape_cast %get3A_556 : vector<1x16xf32> to vector<16xf32>
        %max3A_558 = arith.constant 0.000000e+00 : f32
        %max3A_559 = vector.broadcast %max3A_558 : f32 to vector<16xf32>
        %max3A_560 = arith.maximumf %get3A_557, %max3A_559 : vector<16xf32>
        %add3A_561 = arith.addf %add3A_497, %max3A_560 : vector<16xf32>
        %get3A_562 = arith.index_cast %scan3A_91 : i32 to index
        %get3A_563 = arith.constant 928 : index
        %get3A_564 = tpu.vector_load %arg5[%get3A_562, %get3A_563] {strides = array<i32>} : memref<32x1024xf32, #tpu.memory_space<vmem>>, vector<1x16xf32>,
        %get3A_565 = vector.shape_cast %get3A_564 : vector<1x16xf32> to vector<16xf32>
        %max3A_566 = arith.constant 0.000000e+00 : f32
        %max3A_567 = vector.broadcast %max3A_566 : f32 to vector<16xf32>
        %max3A_568 = arith.maximumf %get3A_565, %max3A_567 : vector<16xf32>
        %add3A_569 = arith.addf %add3A_505, %max3A_568 : vector<16xf32>
        %get3A_570 = arith.index_cast %scan3A_91 : i32 to index
        %get3A_571 = arith.constant 944 : index
        %get3A_572 = tpu.vector_load %arg5[%get3A_570, %get3A_571] {strides = array<i32>} : memref<32x1024xf32, #tpu.memory_space<vmem>>, vector<1x16xf32>,
        %get3A_573 = vector.shape_cast %get3A_572 : vector<1x16xf32> to vector<16xf32>
        %max3A_574 = arith.constant 0.000000e+00 : f32
        %max3A_575 = vector.broadcast %max3A_574 : f32 to vector<16xf32>
        %max3A_576 = arith.maximumf %get3A_573, %max3A_575 : vector<16xf32>
        %add3A_577 = arith.addf %add3A_513, %max3A_576 : vector<16xf32>
        %get3A_578 = arith.index_cast %scan3A_91 : i32 to index
        %get3A_579 = arith.constant 960 : index
        %get3A_580 = tpu.vector_load %arg5[%get3A_578, %get3A_579] {strides = array<i32>} : memref<32x1024xf32, #tpu.memory_space<vmem>>, vector<1x16xf32>,
        %get3A_581 = vector.shape_cast %get3A_580 : vector<1x16xf32> to vector<16xf32>
        %max3A_582 = arith.constant 0.000000e+00 : f32
        %max3A_583 = vector.broadcast %max3A_582 : f32 to vector<16xf32>
        %max3A_584 = arith.maximumf %get3A_581, %max3A_583 : vector<16xf32>
        %add3A_585 = arith.addf %add3A_521, %max3A_584 : vector<16xf32>
        %get3A_586 = arith.index_cast %scan3A_91 : i32 to index
        %get3A_587 = arith.constant 976 : index
        %get3A_588 = tpu.vector_load %arg5[%get3A_586, %get3A_587] {strides = array<i32>} : memref<32x1024xf32, #tpu.memory_space<vmem>>, vector<1x16xf32>,
        %get3A_589 = vector.shape_cast %get3A_588 : vector<1x16xf32> to vector<16xf32>
        %max3A_590 = arith.constant 0.000000e+00 : f32
        %max3A_591 = vector.broadcast %max3A_590 : f32 to vector<16xf32>
        %max3A_592 = arith.maximumf %get3A_589, %max3A_591 : vector<16xf32>
        %add3A_593 = arith.addf %add3A_529, %max3A_592 : vector<16xf32>
        %get3A_594 = arith.index_cast %scan3A_91 : i32 to index
        %get3A_595 = arith.constant 992 : index
        %get3A_596 = tpu.vector_load %arg5[%get3A_594, %get3A_595] {strides = array<i32>} : memref<32x1024xf32, #tpu.memory_space<vmem>>, vector<1x16xf32>,
        %get3A_597 = vector.shape_cast %get3A_596 : vector<1x16xf32> to vector<16xf32>
        %max3A_598 = arith.constant 0.000000e+00 : f32
        %max3A_599 = vector.broadcast %max3A_598 : f32 to vector<16xf32>
        %max3A_600 = arith.maximumf %get3A_597, %max3A_599 : vector<16xf32>
        %add3A_601 = arith.addf %add3A_537, %max3A_600 : vector<16xf32>
        %get3A_602 = arith.index_cast %scan3A_91 : i32 to index
        %get3A_603 = arith.constant 1008 : index
        %get3A_604 = tpu.vector_load %arg5[%get3A_602, %get3A_603] {strides = array<i32>} : memref<32x1024xf32, #tpu.memory_space<vmem>>, vector<1x16xf32>,
        %get3A_605 = vector.shape_cast %get3A_604 : vector<1x16xf32> to vector<16xf32>
        %max3A_606 = arith.constant 0.000000e+00 : f32
        %max3A_607 = vector.broadcast %max3A_606 : f32 to vector<16xf32>
        %max3A_608 = arith.maximumf %get3A_605, %max3A_607 : vector<16xf32>
        %add3A_609 = arith.addf %add3A_545, %max3A_608 : vector<16xf32>
        scf.yield %add3A_553, %add3A_561, %add3A_569, %add3A_577, %add3A_585, %add3A_593, %add3A_601, %add3A_609 : vector<16xf32>, vector<16xf32>, vector<16xf32>, vector<16xf32>, vector<16xf32>, vector<16xf32>, vector<16xf32>, vector<16xf32>
      }
      %scan3A_85 = arith.constant 32 : i32
      %lt3A_86 = arith.constant 5 : i32
      %lt3A_87 = arith.cmpi slt, %scan3A_46, %lt3A_86 : i32
      %convert_element_type3A_88 = arith.extui %lt3A_87 : i1 to i32
      %cond3A_89 = arith.constant 0 : i32
      %cond3A_90 = arith.cmpi ne, %convert_element_type3A_88, %cond3A_89 : i32
      scf.if %cond3A_90 {
        %add3A_91 = arith.constant 3 : i32
        %add3A_92 = arith.addi %mul3A_56, %add3A_91 : i32
        %mul3A_93 = arith.constant 32 : i32
        %mul3A_94 = arith.muli %add3A_92, %mul3A_93 : i32
        %add3A_95 = arith.addi %mul3A_2, %mul3A_94 : i32
        %dma_start3A_96 = arith.constant 0 : i32
        %dma_start3A_97 = tpu.memref_slice %arg2[%add3A_95, %dma_start3A_96] : memref<32768x1024xf32, #tpu.memory_space<hbm>> -> memref<32x1024xf32, #tpu.memory_space<hbm>>
        %dma_start3A_98 = arith.constant 0 : i32
        %dma_start3A_99 = tpu.memref_slice %arg2[%add3A_95, %dma_start3A_98] : memref<32768x1024xf32, #tpu.memory_space<hbm>> -> memref<32x1024xf32, #tpu.memory_space<hbm>>
        tpu.enqueue_dma source(%dma_start3A_99 : memref<32x1024xf32, #tpu.memory_space<hbm>>) target(%arg5 : memref<32x1024xf32, #tpu.memory_space<vmem>>) target_semaphore(%arg8 : memref<!tpu.dma_semaphore, #tpu.memory_space<semaphore_mem>>)
      } else {
      }
      scf.yield %scan3A_84#0, %scan3A_84#1, %scan3A_84#2, %scan3A_84#3, %scan3A_84#4, %scan3A_84#5, %scan3A_84#6, %scan3A_84#7 : vector<16xf32>, vector<16xf32>, vector<16xf32>, vector<16xf32>, vector<16xf32>, vector<16xf32>, vector<16xf32>, vector<16xf32>
    }
    %scan3A_33 = arith.constant 6 : i32
    %add3A_34 = arith.addf %scan3A_32#0, %scan3A_32#1 : vector<16xf32>
    %add3A_35 = arith.addf %add3A_34, %scan3A_32#2 : vector<16xf32>
    %add3A_36 = arith.addf %add3A_35, %scan3A_32#3 : vector<16xf32>
    %add3A_37 = arith.addf %add3A_36, %scan3A_32#4 : vector<16xf32>
    %add3A_38 = arith.addf %add3A_37, %scan3A_32#5 : vector<16xf32>
    %add3A_39 = arith.addf %add3A_38, %scan3A_32#6 : vector<16xf32>
    %add3A_40 = arith.addf %add3A_39, %scan3A_32#7 : vector<16xf32>
    %swap3A = arith.constant 0 : index
    %swap3A_41 = tpu.vector_load %arg6[%swap3A] {strides = array<i32>} : memref<16xf32, #tpu.memory_space<vmem>>, vector<16xf32>,
    %swap3A_42 = vector.shape_cast %swap3A_41 : vector<16xf32> to vector<16xf32>
    %swap3A_43 = vector.shape_cast %add3A_40 : vector<16xf32> to vector<16xf32>
    tpu.vector_store %arg6[%swap3A], %swap3A_43 {strides = array<i32>} : memref<16xf32, #tpu.memory_space<vmem>>, vector<16xf32>,
    %mul3A_44 = arith.constant 16 : i32
    %mul3A_45 = arith.muli %add3A, %mul3A_44 : i32
    "tpu.region"() ({
      %run_scoped3A = tpu.sem_alloc : memref<!tpu.dma_semaphore, #tpu.memory_space<semaphore_mem>>
      %dma_start3A_46 = tpu.memref_slice %arg3[%mul3A_45] : memref<512xf32, #tpu.memory_space<hbm>> -> memref<16xf32, #tpu.memory_space<hbm>>
      %dma_start3A_47 = tpu.memref_slice %arg3[%mul3A_45] : memref<512xf32, #tpu.memory_space<hbm>> -> memref<16xf32, #tpu.memory_space<hbm>>
      tpu.enqueue_dma source(%arg6 : memref<16xf32, #tpu.memory_space<vmem>>) target(%dma_start3A_47 : memref<16xf32, #tpu.memory_space<hbm>>) target_semaphore(%run_scoped3A : memref<!tpu.dma_semaphore, #tpu.memory_space<semaphore_mem>>)
      %dma_wait3A = tpu.memref_slice %arg3[%mul3A_45] : memref<512xf32, #tpu.memory_space<hbm>> -> memref<16xf32, #tpu.memory_space<hbm>>
      %dma_wait3A_48 = tpu.memref_slice %arg3[%mul3A_45] : memref<512xf32, #tpu.memory_space<hbm>> -> memref<16xf32, #tpu.memory_space<hbm>>
      tpu.wait_dma2 semaphore(%run_scoped3A : memref<!tpu.dma_semaphore, #tpu.memory_space<semaphore_mem>>) src(%arg6 : memref<16xf32, #tpu.memory_space<vmem>>) dst(%dma_wait3A_48 : memref<16xf32, #tpu.memory_space<hbm>>)
      tpu.yield
    }) : () -> ()
    return
  }
}

module attributes {stable_mosaic.version = 14 : i64} {
  func.func @_tc_body(%arg0: i32, %arg1: memref<256x1024xf32, #tpu.memory_space<vmem>>, %arg2: memref<256x1024xf32, #tpu.memory_space<vmem>>, %arg3: memref<256x1024xf32, #tpu.memory_space<vmem>>, %arg4: memref<256x1024xf32, #tpu.memory_space<vmem>>, %arg5: memref<1x1xf32, #tpu.memory_space<smem>>, %arg6: memref<8x1024xf32, #tpu.memory_space<vmem>>) attributes {dimension_semantics = [#tpu.dimension_semantics<arbitrary>], iteration_bounds = array<i64: 20>, scalar_prefetch = 0 : i64, scratch_operands = 1 : i64, tpu.core_type = #tpu.core_type<tc>, window_params = [{transform_indices = @transform_0, window_bounds = array<i64: 256, 1024>}, {transform_indices = @transform_1, window_bounds = array<i64: 256, 1024>}, {transform_indices = @transform_2, window_bounds = array<i64: 256, 1024>}, {transform_indices = @transform_3, window_bounds = array<i64: 256, 1024>}, {transform_indices = @transform_4, window_bounds = array<i64: 1, 1>}]} {
    %eq3A = arith.constant 0 : i32
    %eq3A_0 = arith.cmpi eq, %arg0, %eq3A : i32
    %convert_element_type3A = arith.extui %eq3A_0 : i1 to i32
    %cond3A = arith.constant 0 : i32
    %cond3A_1 = arith.cmpi ne, %convert_element_type3A, %cond3A : i32
    scf.if %cond3A_1 {
      %broadcast_in_dim3A = arith.constant 0.000000e+00 : f32
      %broadcast_in_dim3A_905 = vector.broadcast %broadcast_in_dim3A : f32 to vector<8x1024xf32>
      %swap3A_906 = arith.constant 0 : index
      %swap3A_907 = arith.constant 0 : index
      %swap3A_908 = vector.load %arg6[%swap3A_906, %swap3A_907] : memref<8x1024xf32, #tpu.memory_space<vmem>>, vector<8x1024xf32>
      tpu.vector_store %arg6[%swap3A_906, %swap3A_907], %broadcast_in_dim3A_905 {strides = array<i32>} : memref<8x1024xf32, #tpu.memory_space<vmem>>, vector<8x1024xf32>,
    } else {
    }
    %get3A = arith.constant 0 : index
    %get3A_2 = arith.constant 0 : index
    %get3A_3 = vector.load %arg6[%get3A, %get3A_2] : memref<8x1024xf32, #tpu.memory_space<vmem>>, vector<8x1024xf32>
    %get3A_4 = arith.constant 0 : index
    %get3A_5 = arith.constant 0 : index
    %get3A_6 = vector.load %arg1[%get3A_4, %get3A_5] : memref<256x1024xf32, #tpu.memory_space<vmem>>, vector<8x1024xf32>
    %max3A = arith.constant 0.000000e+00 : f32
    %max3A_7 = vector.broadcast %max3A : f32 to vector<8x1024xf32>
    %max3A_8 = arith.maximumf %get3A_6, %max3A_7 : vector<8x1024xf32>
    %add3A = arith.addf %get3A_3, %max3A_8 : vector<8x1024xf32>
    %get3A_9 = arith.constant 8 : index
    %get3A_10 = arith.constant 0 : index
    %get3A_11 = vector.load %arg1[%get3A_9, %get3A_10] : memref<256x1024xf32, #tpu.memory_space<vmem>>, vector<8x1024xf32>
    %max3A_12 = arith.constant 0.000000e+00 : f32
    %max3A_13 = vector.broadcast %max3A_12 : f32 to vector<8x1024xf32>
    %max3A_14 = arith.maximumf %get3A_11, %max3A_13 : vector<8x1024xf32>
    %add3A_15 = arith.addf %add3A, %max3A_14 : vector<8x1024xf32>
    %get3A_16 = arith.constant 16 : index
    %get3A_17 = arith.constant 0 : index
    %get3A_18 = vector.load %arg1[%get3A_16, %get3A_17] : memref<256x1024xf32, #tpu.memory_space<vmem>>, vector<8x1024xf32>
    %max3A_19 = arith.constant 0.000000e+00 : f32
    %max3A_20 = vector.broadcast %max3A_19 : f32 to vector<8x1024xf32>
    %max3A_21 = arith.maximumf %get3A_18, %max3A_20 : vector<8x1024xf32>
    %add3A_22 = arith.addf %add3A_15, %max3A_21 : vector<8x1024xf32>
    %get3A_23 = arith.constant 24 : index
    %get3A_24 = arith.constant 0 : index
    %get3A_25 = vector.load %arg1[%get3A_23, %get3A_24] : memref<256x1024xf32, #tpu.memory_space<vmem>>, vector<8x1024xf32>
    %max3A_26 = arith.constant 0.000000e+00 : f32
    %max3A_27 = vector.broadcast %max3A_26 : f32 to vector<8x1024xf32>
    %max3A_28 = arith.maximumf %get3A_25, %max3A_27 : vector<8x1024xf32>
    %add3A_29 = arith.addf %add3A_22, %max3A_28 : vector<8x1024xf32>
    %get3A_30 = arith.constant 32 : index
    %get3A_31 = arith.constant 0 : index
    %get3A_32 = vector.load %arg1[%get3A_30, %get3A_31] : memref<256x1024xf32, #tpu.memory_space<vmem>>, vector<8x1024xf32>
    %max3A_33 = arith.constant 0.000000e+00 : f32
    %max3A_34 = vector.broadcast %max3A_33 : f32 to vector<8x1024xf32>
    %max3A_35 = arith.maximumf %get3A_32, %max3A_34 : vector<8x1024xf32>
    %add3A_36 = arith.addf %add3A_29, %max3A_35 : vector<8x1024xf32>
    %get3A_37 = arith.constant 40 : index
    %get3A_38 = arith.constant 0 : index
    %get3A_39 = vector.load %arg1[%get3A_37, %get3A_38] : memref<256x1024xf32, #tpu.memory_space<vmem>>, vector<8x1024xf32>
    %max3A_40 = arith.constant 0.000000e+00 : f32
    %max3A_41 = vector.broadcast %max3A_40 : f32 to vector<8x1024xf32>
    %max3A_42 = arith.maximumf %get3A_39, %max3A_41 : vector<8x1024xf32>
    %add3A_43 = arith.addf %add3A_36, %max3A_42 : vector<8x1024xf32>
    %get3A_44 = arith.constant 48 : index
    %get3A_45 = arith.constant 0 : index
    %get3A_46 = vector.load %arg1[%get3A_44, %get3A_45] : memref<256x1024xf32, #tpu.memory_space<vmem>>, vector<8x1024xf32>
    %max3A_47 = arith.constant 0.000000e+00 : f32
    %max3A_48 = vector.broadcast %max3A_47 : f32 to vector<8x1024xf32>
    %max3A_49 = arith.maximumf %get3A_46, %max3A_48 : vector<8x1024xf32>
    %add3A_50 = arith.addf %add3A_43, %max3A_49 : vector<8x1024xf32>
    %get3A_51 = arith.constant 56 : index
    %get3A_52 = arith.constant 0 : index
    %get3A_53 = vector.load %arg1[%get3A_51, %get3A_52] : memref<256x1024xf32, #tpu.memory_space<vmem>>, vector<8x1024xf32>
    %max3A_54 = arith.constant 0.000000e+00 : f32
    %max3A_55 = vector.broadcast %max3A_54 : f32 to vector<8x1024xf32>
    %max3A_56 = arith.maximumf %get3A_53, %max3A_55 : vector<8x1024xf32>
    %add3A_57 = arith.addf %add3A_50, %max3A_56 : vector<8x1024xf32>
    %get3A_58 = arith.constant 64 : index
    %get3A_59 = arith.constant 0 : index
    %get3A_60 = vector.load %arg1[%get3A_58, %get3A_59] : memref<256x1024xf32, #tpu.memory_space<vmem>>, vector<8x1024xf32>
    %max3A_61 = arith.constant 0.000000e+00 : f32
    %max3A_62 = vector.broadcast %max3A_61 : f32 to vector<8x1024xf32>
    %max3A_63 = arith.maximumf %get3A_60, %max3A_62 : vector<8x1024xf32>
    %add3A_64 = arith.addf %add3A_57, %max3A_63 : vector<8x1024xf32>
    %get3A_65 = arith.constant 72 : index
    %get3A_66 = arith.constant 0 : index
    %get3A_67 = vector.load %arg1[%get3A_65, %get3A_66] : memref<256x1024xf32, #tpu.memory_space<vmem>>, vector<8x1024xf32>
    %max3A_68 = arith.constant 0.000000e+00 : f32
    %max3A_69 = vector.broadcast %max3A_68 : f32 to vector<8x1024xf32>
    %max3A_70 = arith.maximumf %get3A_67, %max3A_69 : vector<8x1024xf32>
    %add3A_71 = arith.addf %add3A_64, %max3A_70 : vector<8x1024xf32>
    %get3A_72 = arith.constant 80 : index
    %get3A_73 = arith.constant 0 : index
    %get3A_74 = vector.load %arg1[%get3A_72, %get3A_73] : memref<256x1024xf32, #tpu.memory_space<vmem>>, vector<8x1024xf32>
    %max3A_75 = arith.constant 0.000000e+00 : f32
    %max3A_76 = vector.broadcast %max3A_75 : f32 to vector<8x1024xf32>
    %max3A_77 = arith.maximumf %get3A_74, %max3A_76 : vector<8x1024xf32>
    %add3A_78 = arith.addf %add3A_71, %max3A_77 : vector<8x1024xf32>
    %get3A_79 = arith.constant 88 : index
    %get3A_80 = arith.constant 0 : index
    %get3A_81 = vector.load %arg1[%get3A_79, %get3A_80] : memref<256x1024xf32, #tpu.memory_space<vmem>>, vector<8x1024xf32>
    %max3A_82 = arith.constant 0.000000e+00 : f32
    %max3A_83 = vector.broadcast %max3A_82 : f32 to vector<8x1024xf32>
    %max3A_84 = arith.maximumf %get3A_81, %max3A_83 : vector<8x1024xf32>
    %add3A_85 = arith.addf %add3A_78, %max3A_84 : vector<8x1024xf32>
    %get3A_86 = arith.constant 96 : index
    %get3A_87 = arith.constant 0 : index
    %get3A_88 = vector.load %arg1[%get3A_86, %get3A_87] : memref<256x1024xf32, #tpu.memory_space<vmem>>, vector<8x1024xf32>
    %max3A_89 = arith.constant 0.000000e+00 : f32
    %max3A_90 = vector.broadcast %max3A_89 : f32 to vector<8x1024xf32>
    %max3A_91 = arith.maximumf %get3A_88, %max3A_90 : vector<8x1024xf32>
    %add3A_92 = arith.addf %add3A_85, %max3A_91 : vector<8x1024xf32>
    %get3A_93 = arith.constant 104 : index
    %get3A_94 = arith.constant 0 : index
    %get3A_95 = vector.load %arg1[%get3A_93, %get3A_94] : memref<256x1024xf32, #tpu.memory_space<vmem>>, vector<8x1024xf32>
    %max3A_96 = arith.constant 0.000000e+00 : f32
    %max3A_97 = vector.broadcast %max3A_96 : f32 to vector<8x1024xf32>
    %max3A_98 = arith.maximumf %get3A_95, %max3A_97 : vector<8x1024xf32>
    %add3A_99 = arith.addf %add3A_92, %max3A_98 : vector<8x1024xf32>
    %get3A_100 = arith.constant 112 : index
    %get3A_101 = arith.constant 0 : index
    %get3A_102 = vector.load %arg1[%get3A_100, %get3A_101] : memref<256x1024xf32, #tpu.memory_space<vmem>>, vector<8x1024xf32>
    %max3A_103 = arith.constant 0.000000e+00 : f32
    %max3A_104 = vector.broadcast %max3A_103 : f32 to vector<8x1024xf32>
    %max3A_105 = arith.maximumf %get3A_102, %max3A_104 : vector<8x1024xf32>
    %add3A_106 = arith.addf %add3A_99, %max3A_105 : vector<8x1024xf32>
    %get3A_107 = arith.constant 120 : index
    %get3A_108 = arith.constant 0 : index
    %get3A_109 = vector.load %arg1[%get3A_107, %get3A_108] : memref<256x1024xf32, #tpu.memory_space<vmem>>, vector<8x1024xf32>
    %max3A_110 = arith.constant 0.000000e+00 : f32
    %max3A_111 = vector.broadcast %max3A_110 : f32 to vector<8x1024xf32>
    %max3A_112 = arith.maximumf %get3A_109, %max3A_111 : vector<8x1024xf32>
    %add3A_113 = arith.addf %add3A_106, %max3A_112 : vector<8x1024xf32>
    %get3A_114 = arith.constant 128 : index
    %get3A_115 = arith.constant 0 : index
    %get3A_116 = vector.load %arg1[%get3A_114, %get3A_115] : memref<256x1024xf32, #tpu.memory_space<vmem>>, vector<8x1024xf32>
    %max3A_117 = arith.constant 0.000000e+00 : f32
    %max3A_118 = vector.broadcast %max3A_117 : f32 to vector<8x1024xf32>
    %max3A_119 = arith.maximumf %get3A_116, %max3A_118 : vector<8x1024xf32>
    %add3A_120 = arith.addf %add3A_113, %max3A_119 : vector<8x1024xf32>
    %get3A_121 = arith.constant 136 : index
    %get3A_122 = arith.constant 0 : index
    %get3A_123 = vector.load %arg1[%get3A_121, %get3A_122] : memref<256x1024xf32, #tpu.memory_space<vmem>>, vector<8x1024xf32>
    %max3A_124 = arith.constant 0.000000e+00 : f32
    %max3A_125 = vector.broadcast %max3A_124 : f32 to vector<8x1024xf32>
    %max3A_126 = arith.maximumf %get3A_123, %max3A_125 : vector<8x1024xf32>
    %add3A_127 = arith.addf %add3A_120, %max3A_126 : vector<8x1024xf32>
    %get3A_128 = arith.constant 144 : index
    %get3A_129 = arith.constant 0 : index
    %get3A_130 = vector.load %arg1[%get3A_128, %get3A_129] : memref<256x1024xf32, #tpu.memory_space<vmem>>, vector<8x1024xf32>
    %max3A_131 = arith.constant 0.000000e+00 : f32
    %max3A_132 = vector.broadcast %max3A_131 : f32 to vector<8x1024xf32>
    %max3A_133 = arith.maximumf %get3A_130, %max3A_132 : vector<8x1024xf32>
    %add3A_134 = arith.addf %add3A_127, %max3A_133 : vector<8x1024xf32>
    %get3A_135 = arith.constant 152 : index
    %get3A_136 = arith.constant 0 : index
    %get3A_137 = vector.load %arg1[%get3A_135, %get3A_136] : memref<256x1024xf32, #tpu.memory_space<vmem>>, vector<8x1024xf32>
    %max3A_138 = arith.constant 0.000000e+00 : f32
    %max3A_139 = vector.broadcast %max3A_138 : f32 to vector<8x1024xf32>
    %max3A_140 = arith.maximumf %get3A_137, %max3A_139 : vector<8x1024xf32>
    %add3A_141 = arith.addf %add3A_134, %max3A_140 : vector<8x1024xf32>
    %get3A_142 = arith.constant 160 : index
    %get3A_143 = arith.constant 0 : index
    %get3A_144 = vector.load %arg1[%get3A_142, %get3A_143] : memref<256x1024xf32, #tpu.memory_space<vmem>>, vector<8x1024xf32>
    %max3A_145 = arith.constant 0.000000e+00 : f32
    %max3A_146 = vector.broadcast %max3A_145 : f32 to vector<8x1024xf32>
    %max3A_147 = arith.maximumf %get3A_144, %max3A_146 : vector<8x1024xf32>
    %add3A_148 = arith.addf %add3A_141, %max3A_147 : vector<8x1024xf32>
    %get3A_149 = arith.constant 168 : index
    %get3A_150 = arith.constant 0 : index
    %get3A_151 = vector.load %arg1[%get3A_149, %get3A_150] : memref<256x1024xf32, #tpu.memory_space<vmem>>, vector<8x1024xf32>
    %max3A_152 = arith.constant 0.000000e+00 : f32
    %max3A_153 = vector.broadcast %max3A_152 : f32 to vector<8x1024xf32>
    %max3A_154 = arith.maximumf %get3A_151, %max3A_153 : vector<8x1024xf32>
    %add3A_155 = arith.addf %add3A_148, %max3A_154 : vector<8x1024xf32>
    %get3A_156 = arith.constant 176 : index
    %get3A_157 = arith.constant 0 : index
    %get3A_158 = vector.load %arg1[%get3A_156, %get3A_157] : memref<256x1024xf32, #tpu.memory_space<vmem>>, vector<8x1024xf32>
    %max3A_159 = arith.constant 0.000000e+00 : f32
    %max3A_160 = vector.broadcast %max3A_159 : f32 to vector<8x1024xf32>
    %max3A_161 = arith.maximumf %get3A_158, %max3A_160 : vector<8x1024xf32>
    %add3A_162 = arith.addf %add3A_155, %max3A_161 : vector<8x1024xf32>
    %get3A_163 = arith.constant 184 : index
    %get3A_164 = arith.constant 0 : index
    %get3A_165 = vector.load %arg1[%get3A_163, %get3A_164] : memref<256x1024xf32, #tpu.memory_space<vmem>>, vector<8x1024xf32>
    %max3A_166 = arith.constant 0.000000e+00 : f32
    %max3A_167 = vector.broadcast %max3A_166 : f32 to vector<8x1024xf32>
    %max3A_168 = arith.maximumf %get3A_165, %max3A_167 : vector<8x1024xf32>
    %add3A_169 = arith.addf %add3A_162, %max3A_168 : vector<8x1024xf32>
    %get3A_170 = arith.constant 192 : index
    %get3A_171 = arith.constant 0 : index
    %get3A_172 = vector.load %arg1[%get3A_170, %get3A_171] : memref<256x1024xf32, #tpu.memory_space<vmem>>, vector<8x1024xf32>
    %max3A_173 = arith.constant 0.000000e+00 : f32
    %max3A_174 = vector.broadcast %max3A_173 : f32 to vector<8x1024xf32>
    %max3A_175 = arith.maximumf %get3A_172, %max3A_174 : vector<8x1024xf32>
    %add3A_176 = arith.addf %add3A_169, %max3A_175 : vector<8x1024xf32>
    %get3A_177 = arith.constant 200 : index
    %get3A_178 = arith.constant 0 : index
    %get3A_179 = vector.load %arg1[%get3A_177, %get3A_178] : memref<256x1024xf32, #tpu.memory_space<vmem>>, vector<8x1024xf32>
    %max3A_180 = arith.constant 0.000000e+00 : f32
    %max3A_181 = vector.broadcast %max3A_180 : f32 to vector<8x1024xf32>
    %max3A_182 = arith.maximumf %get3A_179, %max3A_181 : vector<8x1024xf32>
    %add3A_183 = arith.addf %add3A_176, %max3A_182 : vector<8x1024xf32>
    %get3A_184 = arith.constant 208 : index
    %get3A_185 = arith.constant 0 : index
    %get3A_186 = vector.load %arg1[%get3A_184, %get3A_185] : memref<256x1024xf32, #tpu.memory_space<vmem>>, vector<8x1024xf32>
    %max3A_187 = arith.constant 0.000000e+00 : f32
    %max3A_188 = vector.broadcast %max3A_187 : f32 to vector<8x1024xf32>
    %max3A_189 = arith.maximumf %get3A_186, %max3A_188 : vector<8x1024xf32>
    %add3A_190 = arith.addf %add3A_183, %max3A_189 : vector<8x1024xf32>
    %get3A_191 = arith.constant 216 : index
    %get3A_192 = arith.constant 0 : index
    %get3A_193 = vector.load %arg1[%get3A_191, %get3A_192] : memref<256x1024xf32, #tpu.memory_space<vmem>>, vector<8x1024xf32>
    %max3A_194 = arith.constant 0.000000e+00 : f32
    %max3A_195 = vector.broadcast %max3A_194 : f32 to vector<8x1024xf32>
    %max3A_196 = arith.maximumf %get3A_193, %max3A_195 : vector<8x1024xf32>
    %add3A_197 = arith.addf %add3A_190, %max3A_196 : vector<8x1024xf32>
    %get3A_198 = arith.constant 224 : index
    %get3A_199 = arith.constant 0 : index
    %get3A_200 = vector.load %arg1[%get3A_198, %get3A_199] : memref<256x1024xf32, #tpu.memory_space<vmem>>, vector<8x1024xf32>
    %max3A_201 = arith.constant 0.000000e+00 : f32
    %max3A_202 = vector.broadcast %max3A_201 : f32 to vector<8x1024xf32>
    %max3A_203 = arith.maximumf %get3A_200, %max3A_202 : vector<8x1024xf32>
    %add3A_204 = arith.addf %add3A_197, %max3A_203 : vector<8x1024xf32>
    %get3A_205 = arith.constant 232 : index
    %get3A_206 = arith.constant 0 : index
    %get3A_207 = vector.load %arg1[%get3A_205, %get3A_206] : memref<256x1024xf32, #tpu.memory_space<vmem>>, vector<8x1024xf32>
    %max3A_208 = arith.constant 0.000000e+00 : f32
    %max3A_209 = vector.broadcast %max3A_208 : f32 to vector<8x1024xf32>
    %max3A_210 = arith.maximumf %get3A_207, %max3A_209 : vector<8x1024xf32>
    %add3A_211 = arith.addf %add3A_204, %max3A_210 : vector<8x1024xf32>
    %get3A_212 = arith.constant 240 : index
    %get3A_213 = arith.constant 0 : index
    %get3A_214 = vector.load %arg1[%get3A_212, %get3A_213] : memref<256x1024xf32, #tpu.memory_space<vmem>>, vector<8x1024xf32>
    %max3A_215 = arith.constant 0.000000e+00 : f32
    %max3A_216 = vector.broadcast %max3A_215 : f32 to vector<8x1024xf32>
    %max3A_217 = arith.maximumf %get3A_214, %max3A_216 : vector<8x1024xf32>
    %add3A_218 = arith.addf %add3A_211, %max3A_217 : vector<8x1024xf32>
    %get3A_219 = arith.constant 248 : index
    %get3A_220 = arith.constant 0 : index
    %get3A_221 = vector.load %arg1[%get3A_219, %get3A_220] : memref<256x1024xf32, #tpu.memory_space<vmem>>, vector<8x1024xf32>
    %max3A_222 = arith.constant 0.000000e+00 : f32
    %max3A_223 = vector.broadcast %max3A_222 : f32 to vector<8x1024xf32>
    %max3A_224 = arith.maximumf %get3A_221, %max3A_223 : vector<8x1024xf32>
    %add3A_225 = arith.addf %add3A_218, %max3A_224 : vector<8x1024xf32>
    %get3A_226 = arith.constant 0 : index
    %get3A_227 = arith.constant 0 : index
    %get3A_228 = vector.load %arg2[%get3A_226, %get3A_227] : memref<256x1024xf32, #tpu.memory_space<vmem>>, vector<8x1024xf32>
    %max3A_229 = arith.constant 0.000000e+00 : f32
    %max3A_230 = vector.broadcast %max3A_229 : f32 to vector<8x1024xf32>
    %max3A_231 = arith.maximumf %get3A_228, %max3A_230 : vector<8x1024xf32>
    %add3A_232 = arith.addf %add3A_225, %max3A_231 : vector<8x1024xf32>
    %get3A_233 = arith.constant 8 : index
    %get3A_234 = arith.constant 0 : index
    %get3A_235 = vector.load %arg2[%get3A_233, %get3A_234] : memref<256x1024xf32, #tpu.memory_space<vmem>>, vector<8x1024xf32>
    %max3A_236 = arith.constant 0.000000e+00 : f32
    %max3A_237 = vector.broadcast %max3A_236 : f32 to vector<8x1024xf32>
    %max3A_238 = arith.maximumf %get3A_235, %max3A_237 : vector<8x1024xf32>
    %add3A_239 = arith.addf %add3A_232, %max3A_238 : vector<8x1024xf32>
    %get3A_240 = arith.constant 16 : index
    %get3A_241 = arith.constant 0 : index
    %get3A_242 = vector.load %arg2[%get3A_240, %get3A_241] : memref<256x1024xf32, #tpu.memory_space<vmem>>, vector<8x1024xf32>
    %max3A_243 = arith.constant 0.000000e+00 : f32
    %max3A_244 = vector.broadcast %max3A_243 : f32 to vector<8x1024xf32>
    %max3A_245 = arith.maximumf %get3A_242, %max3A_244 : vector<8x1024xf32>
    %add3A_246 = arith.addf %add3A_239, %max3A_245 : vector<8x1024xf32>
    %get3A_247 = arith.constant 24 : index
    %get3A_248 = arith.constant 0 : index
    %get3A_249 = vector.load %arg2[%get3A_247, %get3A_248] : memref<256x1024xf32, #tpu.memory_space<vmem>>, vector<8x1024xf32>
    %max3A_250 = arith.constant 0.000000e+00 : f32
    %max3A_251 = vector.broadcast %max3A_250 : f32 to vector<8x1024xf32>
    %max3A_252 = arith.maximumf %get3A_249, %max3A_251 : vector<8x1024xf32>
    %add3A_253 = arith.addf %add3A_246, %max3A_252 : vector<8x1024xf32>
    %get3A_254 = arith.constant 32 : index
    %get3A_255 = arith.constant 0 : index
    %get3A_256 = vector.load %arg2[%get3A_254, %get3A_255] : memref<256x1024xf32, #tpu.memory_space<vmem>>, vector<8x1024xf32>
    %max3A_257 = arith.constant 0.000000e+00 : f32
    %max3A_258 = vector.broadcast %max3A_257 : f32 to vector<8x1024xf32>
    %max3A_259 = arith.maximumf %get3A_256, %max3A_258 : vector<8x1024xf32>
    %add3A_260 = arith.addf %add3A_253, %max3A_259 : vector<8x1024xf32>
    %get3A_261 = arith.constant 40 : index
    %get3A_262 = arith.constant 0 : index
    %get3A_263 = vector.load %arg2[%get3A_261, %get3A_262] : memref<256x1024xf32, #tpu.memory_space<vmem>>, vector<8x1024xf32>
    %max3A_264 = arith.constant 0.000000e+00 : f32
    %max3A_265 = vector.broadcast %max3A_264 : f32 to vector<8x1024xf32>
    %max3A_266 = arith.maximumf %get3A_263, %max3A_265 : vector<8x1024xf32>
    %add3A_267 = arith.addf %add3A_260, %max3A_266 : vector<8x1024xf32>
    %get3A_268 = arith.constant 48 : index
    %get3A_269 = arith.constant 0 : index
    %get3A_270 = vector.load %arg2[%get3A_268, %get3A_269] : memref<256x1024xf32, #tpu.memory_space<vmem>>, vector<8x1024xf32>
    %max3A_271 = arith.constant 0.000000e+00 : f32
    %max3A_272 = vector.broadcast %max3A_271 : f32 to vector<8x1024xf32>
    %max3A_273 = arith.maximumf %get3A_270, %max3A_272 : vector<8x1024xf32>
    %add3A_274 = arith.addf %add3A_267, %max3A_273 : vector<8x1024xf32>
    %get3A_275 = arith.constant 56 : index
    %get3A_276 = arith.constant 0 : index
    %get3A_277 = vector.load %arg2[%get3A_275, %get3A_276] : memref<256x1024xf32, #tpu.memory_space<vmem>>, vector<8x1024xf32>
    %max3A_278 = arith.constant 0.000000e+00 : f32
    %max3A_279 = vector.broadcast %max3A_278 : f32 to vector<8x1024xf32>
    %max3A_280 = arith.maximumf %get3A_277, %max3A_279 : vector<8x1024xf32>
    %add3A_281 = arith.addf %add3A_274, %max3A_280 : vector<8x1024xf32>
    %get3A_282 = arith.constant 64 : index
    %get3A_283 = arith.constant 0 : index
    %get3A_284 = vector.load %arg2[%get3A_282, %get3A_283] : memref<256x1024xf32, #tpu.memory_space<vmem>>, vector<8x1024xf32>
    %max3A_285 = arith.constant 0.000000e+00 : f32
    %max3A_286 = vector.broadcast %max3A_285 : f32 to vector<8x1024xf32>
    %max3A_287 = arith.maximumf %get3A_284, %max3A_286 : vector<8x1024xf32>
    %add3A_288 = arith.addf %add3A_281, %max3A_287 : vector<8x1024xf32>
    %get3A_289 = arith.constant 72 : index
    %get3A_290 = arith.constant 0 : index
    %get3A_291 = vector.load %arg2[%get3A_289, %get3A_290] : memref<256x1024xf32, #tpu.memory_space<vmem>>, vector<8x1024xf32>
    %max3A_292 = arith.constant 0.000000e+00 : f32
    %max3A_293 = vector.broadcast %max3A_292 : f32 to vector<8x1024xf32>
    %max3A_294 = arith.maximumf %get3A_291, %max3A_293 : vector<8x1024xf32>
    %add3A_295 = arith.addf %add3A_288, %max3A_294 : vector<8x1024xf32>
    %get3A_296 = arith.constant 80 : index
    %get3A_297 = arith.constant 0 : index
    %get3A_298 = vector.load %arg2[%get3A_296, %get3A_297] : memref<256x1024xf32, #tpu.memory_space<vmem>>, vector<8x1024xf32>
    %max3A_299 = arith.constant 0.000000e+00 : f32
    %max3A_300 = vector.broadcast %max3A_299 : f32 to vector<8x1024xf32>
    %max3A_301 = arith.maximumf %get3A_298, %max3A_300 : vector<8x1024xf32>
    %add3A_302 = arith.addf %add3A_295, %max3A_301 : vector<8x1024xf32>
    %get3A_303 = arith.constant 88 : index
    %get3A_304 = arith.constant 0 : index
    %get3A_305 = vector.load %arg2[%get3A_303, %get3A_304] : memref<256x1024xf32, #tpu.memory_space<vmem>>, vector<8x1024xf32>
    %max3A_306 = arith.constant 0.000000e+00 : f32
    %max3A_307 = vector.broadcast %max3A_306 : f32 to vector<8x1024xf32>
    %max3A_308 = arith.maximumf %get3A_305, %max3A_307 : vector<8x1024xf32>
    %add3A_309 = arith.addf %add3A_302, %max3A_308 : vector<8x1024xf32>
    %get3A_310 = arith.constant 96 : index
    %get3A_311 = arith.constant 0 : index
    %get3A_312 = vector.load %arg2[%get3A_310, %get3A_311] : memref<256x1024xf32, #tpu.memory_space<vmem>>, vector<8x1024xf32>
    %max3A_313 = arith.constant 0.000000e+00 : f32
    %max3A_314 = vector.broadcast %max3A_313 : f32 to vector<8x1024xf32>
    %max3A_315 = arith.maximumf %get3A_312, %max3A_314 : vector<8x1024xf32>
    %add3A_316 = arith.addf %add3A_309, %max3A_315 : vector<8x1024xf32>
    %get3A_317 = arith.constant 104 : index
    %get3A_318 = arith.constant 0 : index
    %get3A_319 = vector.load %arg2[%get3A_317, %get3A_318] : memref<256x1024xf32, #tpu.memory_space<vmem>>, vector<8x1024xf32>
    %max3A_320 = arith.constant 0.000000e+00 : f32
    %max3A_321 = vector.broadcast %max3A_320 : f32 to vector<8x1024xf32>
    %max3A_322 = arith.maximumf %get3A_319, %max3A_321 : vector<8x1024xf32>
    %add3A_323 = arith.addf %add3A_316, %max3A_322 : vector<8x1024xf32>
    %get3A_324 = arith.constant 112 : index
    %get3A_325 = arith.constant 0 : index
    %get3A_326 = vector.load %arg2[%get3A_324, %get3A_325] : memref<256x1024xf32, #tpu.memory_space<vmem>>, vector<8x1024xf32>
    %max3A_327 = arith.constant 0.000000e+00 : f32
    %max3A_328 = vector.broadcast %max3A_327 : f32 to vector<8x1024xf32>
    %max3A_329 = arith.maximumf %get3A_326, %max3A_328 : vector<8x1024xf32>
    %add3A_330 = arith.addf %add3A_323, %max3A_329 : vector<8x1024xf32>
    %get3A_331 = arith.constant 120 : index
    %get3A_332 = arith.constant 0 : index
    %get3A_333 = vector.load %arg2[%get3A_331, %get3A_332] : memref<256x1024xf32, #tpu.memory_space<vmem>>, vector<8x1024xf32>
    %max3A_334 = arith.constant 0.000000e+00 : f32
    %max3A_335 = vector.broadcast %max3A_334 : f32 to vector<8x1024xf32>
    %max3A_336 = arith.maximumf %get3A_333, %max3A_335 : vector<8x1024xf32>
    %add3A_337 = arith.addf %add3A_330, %max3A_336 : vector<8x1024xf32>
    %get3A_338 = arith.constant 128 : index
    %get3A_339 = arith.constant 0 : index
    %get3A_340 = vector.load %arg2[%get3A_338, %get3A_339] : memref<256x1024xf32, #tpu.memory_space<vmem>>, vector<8x1024xf32>
    %max3A_341 = arith.constant 0.000000e+00 : f32
    %max3A_342 = vector.broadcast %max3A_341 : f32 to vector<8x1024xf32>
    %max3A_343 = arith.maximumf %get3A_340, %max3A_342 : vector<8x1024xf32>
    %add3A_344 = arith.addf %add3A_337, %max3A_343 : vector<8x1024xf32>
    %get3A_345 = arith.constant 136 : index
    %get3A_346 = arith.constant 0 : index
    %get3A_347 = vector.load %arg2[%get3A_345, %get3A_346] : memref<256x1024xf32, #tpu.memory_space<vmem>>, vector<8x1024xf32>
    %max3A_348 = arith.constant 0.000000e+00 : f32
    %max3A_349 = vector.broadcast %max3A_348 : f32 to vector<8x1024xf32>
    %max3A_350 = arith.maximumf %get3A_347, %max3A_349 : vector<8x1024xf32>
    %add3A_351 = arith.addf %add3A_344, %max3A_350 : vector<8x1024xf32>
    %get3A_352 = arith.constant 144 : index
    %get3A_353 = arith.constant 0 : index
    %get3A_354 = vector.load %arg2[%get3A_352, %get3A_353] : memref<256x1024xf32, #tpu.memory_space<vmem>>, vector<8x1024xf32>
    %max3A_355 = arith.constant 0.000000e+00 : f32
    %max3A_356 = vector.broadcast %max3A_355 : f32 to vector<8x1024xf32>
    %max3A_357 = arith.maximumf %get3A_354, %max3A_356 : vector<8x1024xf32>
    %add3A_358 = arith.addf %add3A_351, %max3A_357 : vector<8x1024xf32>
    %get3A_359 = arith.constant 152 : index
    %get3A_360 = arith.constant 0 : index
    %get3A_361 = vector.load %arg2[%get3A_359, %get3A_360] : memref<256x1024xf32, #tpu.memory_space<vmem>>, vector<8x1024xf32>
    %max3A_362 = arith.constant 0.000000e+00 : f32
    %max3A_363 = vector.broadcast %max3A_362 : f32 to vector<8x1024xf32>
    %max3A_364 = arith.maximumf %get3A_361, %max3A_363 : vector<8x1024xf32>
    %add3A_365 = arith.addf %add3A_358, %max3A_364 : vector<8x1024xf32>
    %get3A_366 = arith.constant 160 : index
    %get3A_367 = arith.constant 0 : index
    %get3A_368 = vector.load %arg2[%get3A_366, %get3A_367] : memref<256x1024xf32, #tpu.memory_space<vmem>>, vector<8x1024xf32>
    %max3A_369 = arith.constant 0.000000e+00 : f32
    %max3A_370 = vector.broadcast %max3A_369 : f32 to vector<8x1024xf32>
    %max3A_371 = arith.maximumf %get3A_368, %max3A_370 : vector<8x1024xf32>
    %add3A_372 = arith.addf %add3A_365, %max3A_371 : vector<8x1024xf32>
    %get3A_373 = arith.constant 168 : index
    %get3A_374 = arith.constant 0 : index
    %get3A_375 = vector.load %arg2[%get3A_373, %get3A_374] : memref<256x1024xf32, #tpu.memory_space<vmem>>, vector<8x1024xf32>
    %max3A_376 = arith.constant 0.000000e+00 : f32
    %max3A_377 = vector.broadcast %max3A_376 : f32 to vector<8x1024xf32>
    %max3A_378 = arith.maximumf %get3A_375, %max3A_377 : vector<8x1024xf32>
    %add3A_379 = arith.addf %add3A_372, %max3A_378 : vector<8x1024xf32>
    %get3A_380 = arith.constant 176 : index
    %get3A_381 = arith.constant 0 : index
    %get3A_382 = vector.load %arg2[%get3A_380, %get3A_381] : memref<256x1024xf32, #tpu.memory_space<vmem>>, vector<8x1024xf32>
    %max3A_383 = arith.constant 0.000000e+00 : f32
    %max3A_384 = vector.broadcast %max3A_383 : f32 to vector<8x1024xf32>
    %max3A_385 = arith.maximumf %get3A_382, %max3A_384 : vector<8x1024xf32>
    %add3A_386 = arith.addf %add3A_379, %max3A_385 : vector<8x1024xf32>
    %get3A_387 = arith.constant 184 : index
    %get3A_388 = arith.constant 0 : index
    %get3A_389 = vector.load %arg2[%get3A_387, %get3A_388] : memref<256x1024xf32, #tpu.memory_space<vmem>>, vector<8x1024xf32>
    %max3A_390 = arith.constant 0.000000e+00 : f32
    %max3A_391 = vector.broadcast %max3A_390 : f32 to vector<8x1024xf32>
    %max3A_392 = arith.maximumf %get3A_389, %max3A_391 : vector<8x1024xf32>
    %add3A_393 = arith.addf %add3A_386, %max3A_392 : vector<8x1024xf32>
    %get3A_394 = arith.constant 192 : index
    %get3A_395 = arith.constant 0 : index
    %get3A_396 = vector.load %arg2[%get3A_394, %get3A_395] : memref<256x1024xf32, #tpu.memory_space<vmem>>, vector<8x1024xf32>
    %max3A_397 = arith.constant 0.000000e+00 : f32
    %max3A_398 = vector.broadcast %max3A_397 : f32 to vector<8x1024xf32>
    %max3A_399 = arith.maximumf %get3A_396, %max3A_398 : vector<8x1024xf32>
    %add3A_400 = arith.addf %add3A_393, %max3A_399 : vector<8x1024xf32>
    %get3A_401 = arith.constant 200 : index
    %get3A_402 = arith.constant 0 : index
    %get3A_403 = vector.load %arg2[%get3A_401, %get3A_402] : memref<256x1024xf32, #tpu.memory_space<vmem>>, vector<8x1024xf32>
    %max3A_404 = arith.constant 0.000000e+00 : f32
    %max3A_405 = vector.broadcast %max3A_404 : f32 to vector<8x1024xf32>
    %max3A_406 = arith.maximumf %get3A_403, %max3A_405 : vector<8x1024xf32>
    %add3A_407 = arith.addf %add3A_400, %max3A_406 : vector<8x1024xf32>
    %get3A_408 = arith.constant 208 : index
    %get3A_409 = arith.constant 0 : index
    %get3A_410 = vector.load %arg2[%get3A_408, %get3A_409] : memref<256x1024xf32, #tpu.memory_space<vmem>>, vector<8x1024xf32>
    %max3A_411 = arith.constant 0.000000e+00 : f32
    %max3A_412 = vector.broadcast %max3A_411 : f32 to vector<8x1024xf32>
    %max3A_413 = arith.maximumf %get3A_410, %max3A_412 : vector<8x1024xf32>
    %add3A_414 = arith.addf %add3A_407, %max3A_413 : vector<8x1024xf32>
    %get3A_415 = arith.constant 216 : index
    %get3A_416 = arith.constant 0 : index
    %get3A_417 = vector.load %arg2[%get3A_415, %get3A_416] : memref<256x1024xf32, #tpu.memory_space<vmem>>, vector<8x1024xf32>
    %max3A_418 = arith.constant 0.000000e+00 : f32
    %max3A_419 = vector.broadcast %max3A_418 : f32 to vector<8x1024xf32>
    %max3A_420 = arith.maximumf %get3A_417, %max3A_419 : vector<8x1024xf32>
    %add3A_421 = arith.addf %add3A_414, %max3A_420 : vector<8x1024xf32>
    %get3A_422 = arith.constant 224 : index
    %get3A_423 = arith.constant 0 : index
    %get3A_424 = vector.load %arg2[%get3A_422, %get3A_423] : memref<256x1024xf32, #tpu.memory_space<vmem>>, vector<8x1024xf32>
    %max3A_425 = arith.constant 0.000000e+00 : f32
    %max3A_426 = vector.broadcast %max3A_425 : f32 to vector<8x1024xf32>
    %max3A_427 = arith.maximumf %get3A_424, %max3A_426 : vector<8x1024xf32>
    %add3A_428 = arith.addf %add3A_421, %max3A_427 : vector<8x1024xf32>
    %get3A_429 = arith.constant 232 : index
    %get3A_430 = arith.constant 0 : index
    %get3A_431 = vector.load %arg2[%get3A_429, %get3A_430] : memref<256x1024xf32, #tpu.memory_space<vmem>>, vector<8x1024xf32>
    %max3A_432 = arith.constant 0.000000e+00 : f32
    %max3A_433 = vector.broadcast %max3A_432 : f32 to vector<8x1024xf32>
    %max3A_434 = arith.maximumf %get3A_431, %max3A_433 : vector<8x1024xf32>
    %add3A_435 = arith.addf %add3A_428, %max3A_434 : vector<8x1024xf32>
    %get3A_436 = arith.constant 240 : index
    %get3A_437 = arith.constant 0 : index
    %get3A_438 = vector.load %arg2[%get3A_436, %get3A_437] : memref<256x1024xf32, #tpu.memory_space<vmem>>, vector<8x1024xf32>
    %max3A_439 = arith.constant 0.000000e+00 : f32
    %max3A_440 = vector.broadcast %max3A_439 : f32 to vector<8x1024xf32>
    %max3A_441 = arith.maximumf %get3A_438, %max3A_440 : vector<8x1024xf32>
    %add3A_442 = arith.addf %add3A_435, %max3A_441 : vector<8x1024xf32>
    %get3A_443 = arith.constant 248 : index
    %get3A_444 = arith.constant 0 : index
    %get3A_445 = vector.load %arg2[%get3A_443, %get3A_444] : memref<256x1024xf32, #tpu.memory_space<vmem>>, vector<8x1024xf32>
    %max3A_446 = arith.constant 0.000000e+00 : f32
    %max3A_447 = vector.broadcast %max3A_446 : f32 to vector<8x1024xf32>
    %max3A_448 = arith.maximumf %get3A_445, %max3A_447 : vector<8x1024xf32>
    %add3A_449 = arith.addf %add3A_442, %max3A_448 : vector<8x1024xf32>
    %get3A_450 = arith.constant 0 : index
    %get3A_451 = arith.constant 0 : index
    %get3A_452 = vector.load %arg3[%get3A_450, %get3A_451] : memref<256x1024xf32, #tpu.memory_space<vmem>>, vector<8x1024xf32>
    %max3A_453 = arith.constant 0.000000e+00 : f32
    %max3A_454 = vector.broadcast %max3A_453 : f32 to vector<8x1024xf32>
    %max3A_455 = arith.maximumf %get3A_452, %max3A_454 : vector<8x1024xf32>
    %add3A_456 = arith.addf %add3A_449, %max3A_455 : vector<8x1024xf32>
    %get3A_457 = arith.constant 8 : index
    %get3A_458 = arith.constant 0 : index
    %get3A_459 = vector.load %arg3[%get3A_457, %get3A_458] : memref<256x1024xf32, #tpu.memory_space<vmem>>, vector<8x1024xf32>
    %max3A_460 = arith.constant 0.000000e+00 : f32
    %max3A_461 = vector.broadcast %max3A_460 : f32 to vector<8x1024xf32>
    %max3A_462 = arith.maximumf %get3A_459, %max3A_461 : vector<8x1024xf32>
    %add3A_463 = arith.addf %add3A_456, %max3A_462 : vector<8x1024xf32>
    %get3A_464 = arith.constant 16 : index
    %get3A_465 = arith.constant 0 : index
    %get3A_466 = vector.load %arg3[%get3A_464, %get3A_465] : memref<256x1024xf32, #tpu.memory_space<vmem>>, vector<8x1024xf32>
    %max3A_467 = arith.constant 0.000000e+00 : f32
    %max3A_468 = vector.broadcast %max3A_467 : f32 to vector<8x1024xf32>
    %max3A_469 = arith.maximumf %get3A_466, %max3A_468 : vector<8x1024xf32>
    %add3A_470 = arith.addf %add3A_463, %max3A_469 : vector<8x1024xf32>
    %get3A_471 = arith.constant 24 : index
    %get3A_472 = arith.constant 0 : index
    %get3A_473 = vector.load %arg3[%get3A_471, %get3A_472] : memref<256x1024xf32, #tpu.memory_space<vmem>>, vector<8x1024xf32>
    %max3A_474 = arith.constant 0.000000e+00 : f32
    %max3A_475 = vector.broadcast %max3A_474 : f32 to vector<8x1024xf32>
    %max3A_476 = arith.maximumf %get3A_473, %max3A_475 : vector<8x1024xf32>
    %add3A_477 = arith.addf %add3A_470, %max3A_476 : vector<8x1024xf32>
    %get3A_478 = arith.constant 32 : index
    %get3A_479 = arith.constant 0 : index
    %get3A_480 = vector.load %arg3[%get3A_478, %get3A_479] : memref<256x1024xf32, #tpu.memory_space<vmem>>, vector<8x1024xf32>
    %max3A_481 = arith.constant 0.000000e+00 : f32
    %max3A_482 = vector.broadcast %max3A_481 : f32 to vector<8x1024xf32>
    %max3A_483 = arith.maximumf %get3A_480, %max3A_482 : vector<8x1024xf32>
    %add3A_484 = arith.addf %add3A_477, %max3A_483 : vector<8x1024xf32>
    %get3A_485 = arith.constant 40 : index
    %get3A_486 = arith.constant 0 : index
    %get3A_487 = vector.load %arg3[%get3A_485, %get3A_486] : memref<256x1024xf32, #tpu.memory_space<vmem>>, vector<8x1024xf32>
    %max3A_488 = arith.constant 0.000000e+00 : f32
    %max3A_489 = vector.broadcast %max3A_488 : f32 to vector<8x1024xf32>
    %max3A_490 = arith.maximumf %get3A_487, %max3A_489 : vector<8x1024xf32>
    %add3A_491 = arith.addf %add3A_484, %max3A_490 : vector<8x1024xf32>
    %get3A_492 = arith.constant 48 : index
    %get3A_493 = arith.constant 0 : index
    %get3A_494 = vector.load %arg3[%get3A_492, %get3A_493] : memref<256x1024xf32, #tpu.memory_space<vmem>>, vector<8x1024xf32>
    %max3A_495 = arith.constant 0.000000e+00 : f32
    %max3A_496 = vector.broadcast %max3A_495 : f32 to vector<8x1024xf32>
    %max3A_497 = arith.maximumf %get3A_494, %max3A_496 : vector<8x1024xf32>
    %add3A_498 = arith.addf %add3A_491, %max3A_497 : vector<8x1024xf32>
    %get3A_499 = arith.constant 56 : index
    %get3A_500 = arith.constant 0 : index
    %get3A_501 = vector.load %arg3[%get3A_499, %get3A_500] : memref<256x1024xf32, #tpu.memory_space<vmem>>, vector<8x1024xf32>
    %max3A_502 = arith.constant 0.000000e+00 : f32
    %max3A_503 = vector.broadcast %max3A_502 : f32 to vector<8x1024xf32>
    %max3A_504 = arith.maximumf %get3A_501, %max3A_503 : vector<8x1024xf32>
    %add3A_505 = arith.addf %add3A_498, %max3A_504 : vector<8x1024xf32>
    %get3A_506 = arith.constant 64 : index
    %get3A_507 = arith.constant 0 : index
    %get3A_508 = vector.load %arg3[%get3A_506, %get3A_507] : memref<256x1024xf32, #tpu.memory_space<vmem>>, vector<8x1024xf32>
    %max3A_509 = arith.constant 0.000000e+00 : f32
    %max3A_510 = vector.broadcast %max3A_509 : f32 to vector<8x1024xf32>
    %max3A_511 = arith.maximumf %get3A_508, %max3A_510 : vector<8x1024xf32>
    %add3A_512 = arith.addf %add3A_505, %max3A_511 : vector<8x1024xf32>
    %get3A_513 = arith.constant 72 : index
    %get3A_514 = arith.constant 0 : index
    %get3A_515 = vector.load %arg3[%get3A_513, %get3A_514] : memref<256x1024xf32, #tpu.memory_space<vmem>>, vector<8x1024xf32>
    %max3A_516 = arith.constant 0.000000e+00 : f32
    %max3A_517 = vector.broadcast %max3A_516 : f32 to vector<8x1024xf32>
    %max3A_518 = arith.maximumf %get3A_515, %max3A_517 : vector<8x1024xf32>
    %add3A_519 = arith.addf %add3A_512, %max3A_518 : vector<8x1024xf32>
    %get3A_520 = arith.constant 80 : index
    %get3A_521 = arith.constant 0 : index
    %get3A_522 = vector.load %arg3[%get3A_520, %get3A_521] : memref<256x1024xf32, #tpu.memory_space<vmem>>, vector<8x1024xf32>
    %max3A_523 = arith.constant 0.000000e+00 : f32
    %max3A_524 = vector.broadcast %max3A_523 : f32 to vector<8x1024xf32>
    %max3A_525 = arith.maximumf %get3A_522, %max3A_524 : vector<8x1024xf32>
    %add3A_526 = arith.addf %add3A_519, %max3A_525 : vector<8x1024xf32>
    %get3A_527 = arith.constant 88 : index
    %get3A_528 = arith.constant 0 : index
    %get3A_529 = vector.load %arg3[%get3A_527, %get3A_528] : memref<256x1024xf32, #tpu.memory_space<vmem>>, vector<8x1024xf32>
    %max3A_530 = arith.constant 0.000000e+00 : f32
    %max3A_531 = vector.broadcast %max3A_530 : f32 to vector<8x1024xf32>
    %max3A_532 = arith.maximumf %get3A_529, %max3A_531 : vector<8x1024xf32>
    %add3A_533 = arith.addf %add3A_526, %max3A_532 : vector<8x1024xf32>
    %get3A_534 = arith.constant 96 : index
    %get3A_535 = arith.constant 0 : index
    %get3A_536 = vector.load %arg3[%get3A_534, %get3A_535] : memref<256x1024xf32, #tpu.memory_space<vmem>>, vector<8x1024xf32>
    %max3A_537 = arith.constant 0.000000e+00 : f32
    %max3A_538 = vector.broadcast %max3A_537 : f32 to vector<8x1024xf32>
    %max3A_539 = arith.maximumf %get3A_536, %max3A_538 : vector<8x1024xf32>
    %add3A_540 = arith.addf %add3A_533, %max3A_539 : vector<8x1024xf32>
    %get3A_541 = arith.constant 104 : index
    %get3A_542 = arith.constant 0 : index
    %get3A_543 = vector.load %arg3[%get3A_541, %get3A_542] : memref<256x1024xf32, #tpu.memory_space<vmem>>, vector<8x1024xf32>
    %max3A_544 = arith.constant 0.000000e+00 : f32
    %max3A_545 = vector.broadcast %max3A_544 : f32 to vector<8x1024xf32>
    %max3A_546 = arith.maximumf %get3A_543, %max3A_545 : vector<8x1024xf32>
    %add3A_547 = arith.addf %add3A_540, %max3A_546 : vector<8x1024xf32>
    %get3A_548 = arith.constant 112 : index
    %get3A_549 = arith.constant 0 : index
    %get3A_550 = vector.load %arg3[%get3A_548, %get3A_549] : memref<256x1024xf32, #tpu.memory_space<vmem>>, vector<8x1024xf32>
    %max3A_551 = arith.constant 0.000000e+00 : f32
    %max3A_552 = vector.broadcast %max3A_551 : f32 to vector<8x1024xf32>
    %max3A_553 = arith.maximumf %get3A_550, %max3A_552 : vector<8x1024xf32>
    %add3A_554 = arith.addf %add3A_547, %max3A_553 : vector<8x1024xf32>
    %get3A_555 = arith.constant 120 : index
    %get3A_556 = arith.constant 0 : index
    %get3A_557 = vector.load %arg3[%get3A_555, %get3A_556] : memref<256x1024xf32, #tpu.memory_space<vmem>>, vector<8x1024xf32>
    %max3A_558 = arith.constant 0.000000e+00 : f32
    %max3A_559 = vector.broadcast %max3A_558 : f32 to vector<8x1024xf32>
    %max3A_560 = arith.maximumf %get3A_557, %max3A_559 : vector<8x1024xf32>
    %add3A_561 = arith.addf %add3A_554, %max3A_560 : vector<8x1024xf32>
    %get3A_562 = arith.constant 128 : index
    %get3A_563 = arith.constant 0 : index
    %get3A_564 = vector.load %arg3[%get3A_562, %get3A_563] : memref<256x1024xf32, #tpu.memory_space<vmem>>, vector<8x1024xf32>
    %max3A_565 = arith.constant 0.000000e+00 : f32
    %max3A_566 = vector.broadcast %max3A_565 : f32 to vector<8x1024xf32>
    %max3A_567 = arith.maximumf %get3A_564, %max3A_566 : vector<8x1024xf32>
    %add3A_568 = arith.addf %add3A_561, %max3A_567 : vector<8x1024xf32>
    %get3A_569 = arith.constant 136 : index
    %get3A_570 = arith.constant 0 : index
    %get3A_571 = vector.load %arg3[%get3A_569, %get3A_570] : memref<256x1024xf32, #tpu.memory_space<vmem>>, vector<8x1024xf32>
    %max3A_572 = arith.constant 0.000000e+00 : f32
    %max3A_573 = vector.broadcast %max3A_572 : f32 to vector<8x1024xf32>
    %max3A_574 = arith.maximumf %get3A_571, %max3A_573 : vector<8x1024xf32>
    %add3A_575 = arith.addf %add3A_568, %max3A_574 : vector<8x1024xf32>
    %get3A_576 = arith.constant 144 : index
    %get3A_577 = arith.constant 0 : index
    %get3A_578 = vector.load %arg3[%get3A_576, %get3A_577] : memref<256x1024xf32, #tpu.memory_space<vmem>>, vector<8x1024xf32>
    %max3A_579 = arith.constant 0.000000e+00 : f32
    %max3A_580 = vector.broadcast %max3A_579 : f32 to vector<8x1024xf32>
    %max3A_581 = arith.maximumf %get3A_578, %max3A_580 : vector<8x1024xf32>
    %add3A_582 = arith.addf %add3A_575, %max3A_581 : vector<8x1024xf32>
    %get3A_583 = arith.constant 152 : index
    %get3A_584 = arith.constant 0 : index
    %get3A_585 = vector.load %arg3[%get3A_583, %get3A_584] : memref<256x1024xf32, #tpu.memory_space<vmem>>, vector<8x1024xf32>
    %max3A_586 = arith.constant 0.000000e+00 : f32
    %max3A_587 = vector.broadcast %max3A_586 : f32 to vector<8x1024xf32>
    %max3A_588 = arith.maximumf %get3A_585, %max3A_587 : vector<8x1024xf32>
    %add3A_589 = arith.addf %add3A_582, %max3A_588 : vector<8x1024xf32>
    %get3A_590 = arith.constant 160 : index
    %get3A_591 = arith.constant 0 : index
    %get3A_592 = vector.load %arg3[%get3A_590, %get3A_591] : memref<256x1024xf32, #tpu.memory_space<vmem>>, vector<8x1024xf32>
    %max3A_593 = arith.constant 0.000000e+00 : f32
    %max3A_594 = vector.broadcast %max3A_593 : f32 to vector<8x1024xf32>
    %max3A_595 = arith.maximumf %get3A_592, %max3A_594 : vector<8x1024xf32>
    %add3A_596 = arith.addf %add3A_589, %max3A_595 : vector<8x1024xf32>
    %get3A_597 = arith.constant 168 : index
    %get3A_598 = arith.constant 0 : index
    %get3A_599 = vector.load %arg3[%get3A_597, %get3A_598] : memref<256x1024xf32, #tpu.memory_space<vmem>>, vector<8x1024xf32>
    %max3A_600 = arith.constant 0.000000e+00 : f32
    %max3A_601 = vector.broadcast %max3A_600 : f32 to vector<8x1024xf32>
    %max3A_602 = arith.maximumf %get3A_599, %max3A_601 : vector<8x1024xf32>
    %add3A_603 = arith.addf %add3A_596, %max3A_602 : vector<8x1024xf32>
    %get3A_604 = arith.constant 176 : index
    %get3A_605 = arith.constant 0 : index
    %get3A_606 = vector.load %arg3[%get3A_604, %get3A_605] : memref<256x1024xf32, #tpu.memory_space<vmem>>, vector<8x1024xf32>
    %max3A_607 = arith.constant 0.000000e+00 : f32
    %max3A_608 = vector.broadcast %max3A_607 : f32 to vector<8x1024xf32>
    %max3A_609 = arith.maximumf %get3A_606, %max3A_608 : vector<8x1024xf32>
    %add3A_610 = arith.addf %add3A_603, %max3A_609 : vector<8x1024xf32>
    %get3A_611 = arith.constant 184 : index
    %get3A_612 = arith.constant 0 : index
    %get3A_613 = vector.load %arg3[%get3A_611, %get3A_612] : memref<256x1024xf32, #tpu.memory_space<vmem>>, vector<8x1024xf32>
    %max3A_614 = arith.constant 0.000000e+00 : f32
    %max3A_615 = vector.broadcast %max3A_614 : f32 to vector<8x1024xf32>
    %max3A_616 = arith.maximumf %get3A_613, %max3A_615 : vector<8x1024xf32>
    %add3A_617 = arith.addf %add3A_610, %max3A_616 : vector<8x1024xf32>
    %get3A_618 = arith.constant 192 : index
    %get3A_619 = arith.constant 0 : index
    %get3A_620 = vector.load %arg3[%get3A_618, %get3A_619] : memref<256x1024xf32, #tpu.memory_space<vmem>>, vector<8x1024xf32>
    %max3A_621 = arith.constant 0.000000e+00 : f32
    %max3A_622 = vector.broadcast %max3A_621 : f32 to vector<8x1024xf32>
    %max3A_623 = arith.maximumf %get3A_620, %max3A_622 : vector<8x1024xf32>
    %add3A_624 = arith.addf %add3A_617, %max3A_623 : vector<8x1024xf32>
    %get3A_625 = arith.constant 200 : index
    %get3A_626 = arith.constant 0 : index
    %get3A_627 = vector.load %arg3[%get3A_625, %get3A_626] : memref<256x1024xf32, #tpu.memory_space<vmem>>, vector<8x1024xf32>
    %max3A_628 = arith.constant 0.000000e+00 : f32
    %max3A_629 = vector.broadcast %max3A_628 : f32 to vector<8x1024xf32>
    %max3A_630 = arith.maximumf %get3A_627, %max3A_629 : vector<8x1024xf32>
    %add3A_631 = arith.addf %add3A_624, %max3A_630 : vector<8x1024xf32>
    %get3A_632 = arith.constant 208 : index
    %get3A_633 = arith.constant 0 : index
    %get3A_634 = vector.load %arg3[%get3A_632, %get3A_633] : memref<256x1024xf32, #tpu.memory_space<vmem>>, vector<8x1024xf32>
    %max3A_635 = arith.constant 0.000000e+00 : f32
    %max3A_636 = vector.broadcast %max3A_635 : f32 to vector<8x1024xf32>
    %max3A_637 = arith.maximumf %get3A_634, %max3A_636 : vector<8x1024xf32>
    %add3A_638 = arith.addf %add3A_631, %max3A_637 : vector<8x1024xf32>
    %get3A_639 = arith.constant 216 : index
    %get3A_640 = arith.constant 0 : index
    %get3A_641 = vector.load %arg3[%get3A_639, %get3A_640] : memref<256x1024xf32, #tpu.memory_space<vmem>>, vector<8x1024xf32>
    %max3A_642 = arith.constant 0.000000e+00 : f32
    %max3A_643 = vector.broadcast %max3A_642 : f32 to vector<8x1024xf32>
    %max3A_644 = arith.maximumf %get3A_641, %max3A_643 : vector<8x1024xf32>
    %add3A_645 = arith.addf %add3A_638, %max3A_644 : vector<8x1024xf32>
    %get3A_646 = arith.constant 224 : index
    %get3A_647 = arith.constant 0 : index
    %get3A_648 = vector.load %arg3[%get3A_646, %get3A_647] : memref<256x1024xf32, #tpu.memory_space<vmem>>, vector<8x1024xf32>
    %max3A_649 = arith.constant 0.000000e+00 : f32
    %max3A_650 = vector.broadcast %max3A_649 : f32 to vector<8x1024xf32>
    %max3A_651 = arith.maximumf %get3A_648, %max3A_650 : vector<8x1024xf32>
    %add3A_652 = arith.addf %add3A_645, %max3A_651 : vector<8x1024xf32>
    %get3A_653 = arith.constant 232 : index
    %get3A_654 = arith.constant 0 : index
    %get3A_655 = vector.load %arg3[%get3A_653, %get3A_654] : memref<256x1024xf32, #tpu.memory_space<vmem>>, vector<8x1024xf32>
    %max3A_656 = arith.constant 0.000000e+00 : f32
    %max3A_657 = vector.broadcast %max3A_656 : f32 to vector<8x1024xf32>
    %max3A_658 = arith.maximumf %get3A_655, %max3A_657 : vector<8x1024xf32>
    %add3A_659 = arith.addf %add3A_652, %max3A_658 : vector<8x1024xf32>
    %get3A_660 = arith.constant 240 : index
    %get3A_661 = arith.constant 0 : index
    %get3A_662 = vector.load %arg3[%get3A_660, %get3A_661] : memref<256x1024xf32, #tpu.memory_space<vmem>>, vector<8x1024xf32>
    %max3A_663 = arith.constant 0.000000e+00 : f32
    %max3A_664 = vector.broadcast %max3A_663 : f32 to vector<8x1024xf32>
    %max3A_665 = arith.maximumf %get3A_662, %max3A_664 : vector<8x1024xf32>
    %add3A_666 = arith.addf %add3A_659, %max3A_665 : vector<8x1024xf32>
    %get3A_667 = arith.constant 248 : index
    %get3A_668 = arith.constant 0 : index
    %get3A_669 = vector.load %arg3[%get3A_667, %get3A_668] : memref<256x1024xf32, #tpu.memory_space<vmem>>, vector<8x1024xf32>
    %max3A_670 = arith.constant 0.000000e+00 : f32
    %max3A_671 = vector.broadcast %max3A_670 : f32 to vector<8x1024xf32>
    %max3A_672 = arith.maximumf %get3A_669, %max3A_671 : vector<8x1024xf32>
    %add3A_673 = arith.addf %add3A_666, %max3A_672 : vector<8x1024xf32>
    %get3A_674 = arith.constant 0 : index
    %get3A_675 = arith.constant 0 : index
    %get3A_676 = vector.load %arg4[%get3A_674, %get3A_675] : memref<256x1024xf32, #tpu.memory_space<vmem>>, vector<8x1024xf32>
    %max3A_677 = arith.constant 0.000000e+00 : f32
    %max3A_678 = vector.broadcast %max3A_677 : f32 to vector<8x1024xf32>
    %max3A_679 = arith.maximumf %get3A_676, %max3A_678 : vector<8x1024xf32>
    %add3A_680 = arith.addf %add3A_673, %max3A_679 : vector<8x1024xf32>
    %get3A_681 = arith.constant 8 : index
    %get3A_682 = arith.constant 0 : index
    %get3A_683 = vector.load %arg4[%get3A_681, %get3A_682] : memref<256x1024xf32, #tpu.memory_space<vmem>>, vector<8x1024xf32>
    %max3A_684 = arith.constant 0.000000e+00 : f32
    %max3A_685 = vector.broadcast %max3A_684 : f32 to vector<8x1024xf32>
    %max3A_686 = arith.maximumf %get3A_683, %max3A_685 : vector<8x1024xf32>
    %add3A_687 = arith.addf %add3A_680, %max3A_686 : vector<8x1024xf32>
    %get3A_688 = arith.constant 16 : index
    %get3A_689 = arith.constant 0 : index
    %get3A_690 = vector.load %arg4[%get3A_688, %get3A_689] : memref<256x1024xf32, #tpu.memory_space<vmem>>, vector<8x1024xf32>
    %max3A_691 = arith.constant 0.000000e+00 : f32
    %max3A_692 = vector.broadcast %max3A_691 : f32 to vector<8x1024xf32>
    %max3A_693 = arith.maximumf %get3A_690, %max3A_692 : vector<8x1024xf32>
    %add3A_694 = arith.addf %add3A_687, %max3A_693 : vector<8x1024xf32>
    %get3A_695 = arith.constant 24 : index
    %get3A_696 = arith.constant 0 : index
    %get3A_697 = vector.load %arg4[%get3A_695, %get3A_696] : memref<256x1024xf32, #tpu.memory_space<vmem>>, vector<8x1024xf32>
    %max3A_698 = arith.constant 0.000000e+00 : f32
    %max3A_699 = vector.broadcast %max3A_698 : f32 to vector<8x1024xf32>
    %max3A_700 = arith.maximumf %get3A_697, %max3A_699 : vector<8x1024xf32>
    %add3A_701 = arith.addf %add3A_694, %max3A_700 : vector<8x1024xf32>
    %get3A_702 = arith.constant 32 : index
    %get3A_703 = arith.constant 0 : index
    %get3A_704 = vector.load %arg4[%get3A_702, %get3A_703] : memref<256x1024xf32, #tpu.memory_space<vmem>>, vector<8x1024xf32>
    %max3A_705 = arith.constant 0.000000e+00 : f32
    %max3A_706 = vector.broadcast %max3A_705 : f32 to vector<8x1024xf32>
    %max3A_707 = arith.maximumf %get3A_704, %max3A_706 : vector<8x1024xf32>
    %add3A_708 = arith.addf %add3A_701, %max3A_707 : vector<8x1024xf32>
    %get3A_709 = arith.constant 40 : index
    %get3A_710 = arith.constant 0 : index
    %get3A_711 = vector.load %arg4[%get3A_709, %get3A_710] : memref<256x1024xf32, #tpu.memory_space<vmem>>, vector<8x1024xf32>
    %max3A_712 = arith.constant 0.000000e+00 : f32
    %max3A_713 = vector.broadcast %max3A_712 : f32 to vector<8x1024xf32>
    %max3A_714 = arith.maximumf %get3A_711, %max3A_713 : vector<8x1024xf32>
    %add3A_715 = arith.addf %add3A_708, %max3A_714 : vector<8x1024xf32>
    %get3A_716 = arith.constant 48 : index
    %get3A_717 = arith.constant 0 : index
    %get3A_718 = vector.load %arg4[%get3A_716, %get3A_717] : memref<256x1024xf32, #tpu.memory_space<vmem>>, vector<8x1024xf32>
    %max3A_719 = arith.constant 0.000000e+00 : f32
    %max3A_720 = vector.broadcast %max3A_719 : f32 to vector<8x1024xf32>
    %max3A_721 = arith.maximumf %get3A_718, %max3A_720 : vector<8x1024xf32>
    %add3A_722 = arith.addf %add3A_715, %max3A_721 : vector<8x1024xf32>
    %get3A_723 = arith.constant 56 : index
    %get3A_724 = arith.constant 0 : index
    %get3A_725 = vector.load %arg4[%get3A_723, %get3A_724] : memref<256x1024xf32, #tpu.memory_space<vmem>>, vector<8x1024xf32>
    %max3A_726 = arith.constant 0.000000e+00 : f32
    %max3A_727 = vector.broadcast %max3A_726 : f32 to vector<8x1024xf32>
    %max3A_728 = arith.maximumf %get3A_725, %max3A_727 : vector<8x1024xf32>
    %add3A_729 = arith.addf %add3A_722, %max3A_728 : vector<8x1024xf32>
    %get3A_730 = arith.constant 64 : index
    %get3A_731 = arith.constant 0 : index
    %get3A_732 = vector.load %arg4[%get3A_730, %get3A_731] : memref<256x1024xf32, #tpu.memory_space<vmem>>, vector<8x1024xf32>
    %max3A_733 = arith.constant 0.000000e+00 : f32
    %max3A_734 = vector.broadcast %max3A_733 : f32 to vector<8x1024xf32>
    %max3A_735 = arith.maximumf %get3A_732, %max3A_734 : vector<8x1024xf32>
    %add3A_736 = arith.addf %add3A_729, %max3A_735 : vector<8x1024xf32>
    %get3A_737 = arith.constant 72 : index
    %get3A_738 = arith.constant 0 : index
    %get3A_739 = vector.load %arg4[%get3A_737, %get3A_738] : memref<256x1024xf32, #tpu.memory_space<vmem>>, vector<8x1024xf32>
    %max3A_740 = arith.constant 0.000000e+00 : f32
    %max3A_741 = vector.broadcast %max3A_740 : f32 to vector<8x1024xf32>
    %max3A_742 = arith.maximumf %get3A_739, %max3A_741 : vector<8x1024xf32>
    %add3A_743 = arith.addf %add3A_736, %max3A_742 : vector<8x1024xf32>
    %get3A_744 = arith.constant 80 : index
    %get3A_745 = arith.constant 0 : index
    %get3A_746 = vector.load %arg4[%get3A_744, %get3A_745] : memref<256x1024xf32, #tpu.memory_space<vmem>>, vector<8x1024xf32>
    %max3A_747 = arith.constant 0.000000e+00 : f32
    %max3A_748 = vector.broadcast %max3A_747 : f32 to vector<8x1024xf32>
    %max3A_749 = arith.maximumf %get3A_746, %max3A_748 : vector<8x1024xf32>
    %add3A_750 = arith.addf %add3A_743, %max3A_749 : vector<8x1024xf32>
    %get3A_751 = arith.constant 88 : index
    %get3A_752 = arith.constant 0 : index
    %get3A_753 = vector.load %arg4[%get3A_751, %get3A_752] : memref<256x1024xf32, #tpu.memory_space<vmem>>, vector<8x1024xf32>
    %max3A_754 = arith.constant 0.000000e+00 : f32
    %max3A_755 = vector.broadcast %max3A_754 : f32 to vector<8x1024xf32>
    %max3A_756 = arith.maximumf %get3A_753, %max3A_755 : vector<8x1024xf32>
    %add3A_757 = arith.addf %add3A_750, %max3A_756 : vector<8x1024xf32>
    %get3A_758 = arith.constant 96 : index
    %get3A_759 = arith.constant 0 : index
    %get3A_760 = vector.load %arg4[%get3A_758, %get3A_759] : memref<256x1024xf32, #tpu.memory_space<vmem>>, vector<8x1024xf32>
    %max3A_761 = arith.constant 0.000000e+00 : f32
    %max3A_762 = vector.broadcast %max3A_761 : f32 to vector<8x1024xf32>
    %max3A_763 = arith.maximumf %get3A_760, %max3A_762 : vector<8x1024xf32>
    %add3A_764 = arith.addf %add3A_757, %max3A_763 : vector<8x1024xf32>
    %get3A_765 = arith.constant 104 : index
    %get3A_766 = arith.constant 0 : index
    %get3A_767 = vector.load %arg4[%get3A_765, %get3A_766] : memref<256x1024xf32, #tpu.memory_space<vmem>>, vector<8x1024xf32>
    %max3A_768 = arith.constant 0.000000e+00 : f32
    %max3A_769 = vector.broadcast %max3A_768 : f32 to vector<8x1024xf32>
    %max3A_770 = arith.maximumf %get3A_767, %max3A_769 : vector<8x1024xf32>
    %add3A_771 = arith.addf %add3A_764, %max3A_770 : vector<8x1024xf32>
    %get3A_772 = arith.constant 112 : index
    %get3A_773 = arith.constant 0 : index
    %get3A_774 = vector.load %arg4[%get3A_772, %get3A_773] : memref<256x1024xf32, #tpu.memory_space<vmem>>, vector<8x1024xf32>
    %max3A_775 = arith.constant 0.000000e+00 : f32
    %max3A_776 = vector.broadcast %max3A_775 : f32 to vector<8x1024xf32>
    %max3A_777 = arith.maximumf %get3A_774, %max3A_776 : vector<8x1024xf32>
    %add3A_778 = arith.addf %add3A_771, %max3A_777 : vector<8x1024xf32>
    %get3A_779 = arith.constant 120 : index
    %get3A_780 = arith.constant 0 : index
    %get3A_781 = vector.load %arg4[%get3A_779, %get3A_780] : memref<256x1024xf32, #tpu.memory_space<vmem>>, vector<8x1024xf32>
    %max3A_782 = arith.constant 0.000000e+00 : f32
    %max3A_783 = vector.broadcast %max3A_782 : f32 to vector<8x1024xf32>
    %max3A_784 = arith.maximumf %get3A_781, %max3A_783 : vector<8x1024xf32>
    %add3A_785 = arith.addf %add3A_778, %max3A_784 : vector<8x1024xf32>
    %get3A_786 = arith.constant 128 : index
    %get3A_787 = arith.constant 0 : index
    %get3A_788 = vector.load %arg4[%get3A_786, %get3A_787] : memref<256x1024xf32, #tpu.memory_space<vmem>>, vector<8x1024xf32>
    %max3A_789 = arith.constant 0.000000e+00 : f32
    %max3A_790 = vector.broadcast %max3A_789 : f32 to vector<8x1024xf32>
    %max3A_791 = arith.maximumf %get3A_788, %max3A_790 : vector<8x1024xf32>
    %add3A_792 = arith.addf %add3A_785, %max3A_791 : vector<8x1024xf32>
    %get3A_793 = arith.constant 136 : index
    %get3A_794 = arith.constant 0 : index
    %get3A_795 = vector.load %arg4[%get3A_793, %get3A_794] : memref<256x1024xf32, #tpu.memory_space<vmem>>, vector<8x1024xf32>
    %max3A_796 = arith.constant 0.000000e+00 : f32
    %max3A_797 = vector.broadcast %max3A_796 : f32 to vector<8x1024xf32>
    %max3A_798 = arith.maximumf %get3A_795, %max3A_797 : vector<8x1024xf32>
    %add3A_799 = arith.addf %add3A_792, %max3A_798 : vector<8x1024xf32>
    %get3A_800 = arith.constant 144 : index
    %get3A_801 = arith.constant 0 : index
    %get3A_802 = vector.load %arg4[%get3A_800, %get3A_801] : memref<256x1024xf32, #tpu.memory_space<vmem>>, vector<8x1024xf32>
    %max3A_803 = arith.constant 0.000000e+00 : f32
    %max3A_804 = vector.broadcast %max3A_803 : f32 to vector<8x1024xf32>
    %max3A_805 = arith.maximumf %get3A_802, %max3A_804 : vector<8x1024xf32>
    %add3A_806 = arith.addf %add3A_799, %max3A_805 : vector<8x1024xf32>
    %get3A_807 = arith.constant 152 : index
    %get3A_808 = arith.constant 0 : index
    %get3A_809 = vector.load %arg4[%get3A_807, %get3A_808] : memref<256x1024xf32, #tpu.memory_space<vmem>>, vector<8x1024xf32>
    %max3A_810 = arith.constant 0.000000e+00 : f32
    %max3A_811 = vector.broadcast %max3A_810 : f32 to vector<8x1024xf32>
    %max3A_812 = arith.maximumf %get3A_809, %max3A_811 : vector<8x1024xf32>
    %add3A_813 = arith.addf %add3A_806, %max3A_812 : vector<8x1024xf32>
    %get3A_814 = arith.constant 160 : index
    %get3A_815 = arith.constant 0 : index
    %get3A_816 = vector.load %arg4[%get3A_814, %get3A_815] : memref<256x1024xf32, #tpu.memory_space<vmem>>, vector<8x1024xf32>
    %max3A_817 = arith.constant 0.000000e+00 : f32
    %max3A_818 = vector.broadcast %max3A_817 : f32 to vector<8x1024xf32>
    %max3A_819 = arith.maximumf %get3A_816, %max3A_818 : vector<8x1024xf32>
    %add3A_820 = arith.addf %add3A_813, %max3A_819 : vector<8x1024xf32>
    %get3A_821 = arith.constant 168 : index
    %get3A_822 = arith.constant 0 : index
    %get3A_823 = vector.load %arg4[%get3A_821, %get3A_822] : memref<256x1024xf32, #tpu.memory_space<vmem>>, vector<8x1024xf32>
    %max3A_824 = arith.constant 0.000000e+00 : f32
    %max3A_825 = vector.broadcast %max3A_824 : f32 to vector<8x1024xf32>
    %max3A_826 = arith.maximumf %get3A_823, %max3A_825 : vector<8x1024xf32>
    %add3A_827 = arith.addf %add3A_820, %max3A_826 : vector<8x1024xf32>
    %get3A_828 = arith.constant 176 : index
    %get3A_829 = arith.constant 0 : index
    %get3A_830 = vector.load %arg4[%get3A_828, %get3A_829] : memref<256x1024xf32, #tpu.memory_space<vmem>>, vector<8x1024xf32>
    %max3A_831 = arith.constant 0.000000e+00 : f32
    %max3A_832 = vector.broadcast %max3A_831 : f32 to vector<8x1024xf32>
    %max3A_833 = arith.maximumf %get3A_830, %max3A_832 : vector<8x1024xf32>
    %add3A_834 = arith.addf %add3A_827, %max3A_833 : vector<8x1024xf32>
    %get3A_835 = arith.constant 184 : index
    %get3A_836 = arith.constant 0 : index
    %get3A_837 = vector.load %arg4[%get3A_835, %get3A_836] : memref<256x1024xf32, #tpu.memory_space<vmem>>, vector<8x1024xf32>
    %max3A_838 = arith.constant 0.000000e+00 : f32
    %max3A_839 = vector.broadcast %max3A_838 : f32 to vector<8x1024xf32>
    %max3A_840 = arith.maximumf %get3A_837, %max3A_839 : vector<8x1024xf32>
    %add3A_841 = arith.addf %add3A_834, %max3A_840 : vector<8x1024xf32>
    %get3A_842 = arith.constant 192 : index
    %get3A_843 = arith.constant 0 : index
    %get3A_844 = vector.load %arg4[%get3A_842, %get3A_843] : memref<256x1024xf32, #tpu.memory_space<vmem>>, vector<8x1024xf32>
    %max3A_845 = arith.constant 0.000000e+00 : f32
    %max3A_846 = vector.broadcast %max3A_845 : f32 to vector<8x1024xf32>
    %max3A_847 = arith.maximumf %get3A_844, %max3A_846 : vector<8x1024xf32>
    %add3A_848 = arith.addf %add3A_841, %max3A_847 : vector<8x1024xf32>
    %get3A_849 = arith.constant 200 : index
    %get3A_850 = arith.constant 0 : index
    %get3A_851 = vector.load %arg4[%get3A_849, %get3A_850] : memref<256x1024xf32, #tpu.memory_space<vmem>>, vector<8x1024xf32>
    %max3A_852 = arith.constant 0.000000e+00 : f32
    %max3A_853 = vector.broadcast %max3A_852 : f32 to vector<8x1024xf32>
    %max3A_854 = arith.maximumf %get3A_851, %max3A_853 : vector<8x1024xf32>
    %add3A_855 = arith.addf %add3A_848, %max3A_854 : vector<8x1024xf32>
    %get3A_856 = arith.constant 208 : index
    %get3A_857 = arith.constant 0 : index
    %get3A_858 = vector.load %arg4[%get3A_856, %get3A_857] : memref<256x1024xf32, #tpu.memory_space<vmem>>, vector<8x1024xf32>
    %max3A_859 = arith.constant 0.000000e+00 : f32
    %max3A_860 = vector.broadcast %max3A_859 : f32 to vector<8x1024xf32>
    %max3A_861 = arith.maximumf %get3A_858, %max3A_860 : vector<8x1024xf32>
    %add3A_862 = arith.addf %add3A_855, %max3A_861 : vector<8x1024xf32>
    %get3A_863 = arith.constant 216 : index
    %get3A_864 = arith.constant 0 : index
    %get3A_865 = vector.load %arg4[%get3A_863, %get3A_864] : memref<256x1024xf32, #tpu.memory_space<vmem>>, vector<8x1024xf32>
    %max3A_866 = arith.constant 0.000000e+00 : f32
    %max3A_867 = vector.broadcast %max3A_866 : f32 to vector<8x1024xf32>
    %max3A_868 = arith.maximumf %get3A_865, %max3A_867 : vector<8x1024xf32>
    %add3A_869 = arith.addf %add3A_862, %max3A_868 : vector<8x1024xf32>
    %get3A_870 = arith.constant 224 : index
    %get3A_871 = arith.constant 0 : index
    %get3A_872 = vector.load %arg4[%get3A_870, %get3A_871] : memref<256x1024xf32, #tpu.memory_space<vmem>>, vector<8x1024xf32>
    %max3A_873 = arith.constant 0.000000e+00 : f32
    %max3A_874 = vector.broadcast %max3A_873 : f32 to vector<8x1024xf32>
    %max3A_875 = arith.maximumf %get3A_872, %max3A_874 : vector<8x1024xf32>
    %add3A_876 = arith.addf %add3A_869, %max3A_875 : vector<8x1024xf32>
    %get3A_877 = arith.constant 232 : index
    %get3A_878 = arith.constant 0 : index
    %get3A_879 = vector.load %arg4[%get3A_877, %get3A_878] : memref<256x1024xf32, #tpu.memory_space<vmem>>, vector<8x1024xf32>
    %max3A_880 = arith.constant 0.000000e+00 : f32
    %max3A_881 = vector.broadcast %max3A_880 : f32 to vector<8x1024xf32>
    %max3A_882 = arith.maximumf %get3A_879, %max3A_881 : vector<8x1024xf32>
    %add3A_883 = arith.addf %add3A_876, %max3A_882 : vector<8x1024xf32>
    %get3A_884 = arith.constant 240 : index
    %get3A_885 = arith.constant 0 : index
    %get3A_886 = vector.load %arg4[%get3A_884, %get3A_885] : memref<256x1024xf32, #tpu.memory_space<vmem>>, vector<8x1024xf32>
    %max3A_887 = arith.constant 0.000000e+00 : f32
    %max3A_888 = vector.broadcast %max3A_887 : f32 to vector<8x1024xf32>
    %max3A_889 = arith.maximumf %get3A_886, %max3A_888 : vector<8x1024xf32>
    %add3A_890 = arith.addf %add3A_883, %max3A_889 : vector<8x1024xf32>
    %get3A_891 = arith.constant 248 : index
    %get3A_892 = arith.constant 0 : index
    %get3A_893 = vector.load %arg4[%get3A_891, %get3A_892] : memref<256x1024xf32, #tpu.memory_space<vmem>>, vector<8x1024xf32>
    %max3A_894 = arith.constant 0.000000e+00 : f32
    %max3A_895 = vector.broadcast %max3A_894 : f32 to vector<8x1024xf32>
    %max3A_896 = arith.maximumf %get3A_893, %max3A_895 : vector<8x1024xf32>
    %add3A_897 = arith.addf %add3A_890, %max3A_896 : vector<8x1024xf32>
    %swap3A = arith.constant 0 : index
    %swap3A_898 = arith.constant 0 : index
    %swap3A_899 = vector.load %arg6[%swap3A, %swap3A_898] : memref<8x1024xf32, #tpu.memory_space<vmem>>, vector<8x1024xf32>
    tpu.vector_store %arg6[%swap3A, %swap3A_898], %add3A_897 {strides = array<i32>} : memref<8x1024xf32, #tpu.memory_space<vmem>>, vector<8x1024xf32>,
    %eq3A_900 = arith.constant 19 : i32
    %eq3A_901 = arith.cmpi eq, %arg0, %eq3A_900 : i32
    %convert_element_type3A_902 = arith.extui %eq3A_901 : i1 to i32
    %cond3A_903 = arith.constant 0 : i32
    %cond3A_904 = arith.cmpi ne, %convert_element_type3A_902, %cond3A_903 : i32
    scf.if %cond3A_904 {
      %get3A_905 = arith.constant 0 : index
      %get3A_906 = arith.constant 0 : index
      %get3A_907 = vector.load %arg6[%get3A_905, %get3A_906] : memref<8x1024xf32, #tpu.memory_space<vmem>>, vector<8x1024xf32>
      %reduce_sum3A = vector.shape_cast %get3A_907 : vector<8x1024xf32> to vector<1x8x1024xf32>
      %reduce_sum3A_908 = arith.constant dense<0.000000e+00> : vector<1xf32>
      %reduce_sum3A_909 = vector.multi_reduction <add>, %reduce_sum3A, %reduce_sum3A_908 [1, 2] : vector<1x8x1024xf32> to vector<1xf32>
      %reduce_sum3A_910 = vector.shape_cast %reduce_sum3A_909 : vector<1xf32> to vector<1x1x1xf32>
      %reduce_sum3A_911 = vector.extract %reduce_sum3A_910[0, 0, 0] : f32 from vector<1x1x1xf32>
      %swap3A_912 = arith.constant 0 : index
      %swap3A_913 = arith.constant 0 : index
      %swap3A_914 = memref.load %arg5[%swap3A_912, %swap3A_913] : memref<1x1xf32, #tpu.memory_space<smem>>
      memref.store %reduce_sum3A_911, %arg5[%swap3A_912, %swap3A_913] : memref<1x1xf32, #tpu.memory_space<smem>>
    } else {
    }
    return
  }
  func.func @transform_0(%arg0: i32) -> (i32, i32) {
    %add3A = arith.constant 48 : i32
    %add3A_0 = arith.addi %add3A, %arg0 : i32
    %c0_i32 = arith.constant 0 : i32
    %c0_i32_1 = arith.constant 0 : i32
    return %add3A_0, %c0_i32 : i32, i32
  }
  func.func @transform_1(%arg0: i32) -> (i32, i32) {
    %add3A = arith.constant 68 : i32
    %add3A_0 = arith.addi %add3A, %arg0 : i32
    %c0_i32 = arith.constant 0 : i32
    %c0_i32_1 = arith.constant 0 : i32
    return %add3A_0, %c0_i32 : i32, i32
  }
  func.func @transform_2(%arg0: i32) -> (i32, i32) {
    %add3A = arith.constant 88 : i32
    %add3A_0 = arith.addi %add3A, %arg0 : i32
    %c0_i32 = arith.constant 0 : i32
    %c0_i32_1 = arith.constant 0 : i32
    return %add3A_0, %c0_i32 : i32, i32
  }
  func.func @transform_3(%arg0: i32) -> (i32, i32) {
    %add3A = arith.constant 108 : i32
    %add3A_0 = arith.addi %add3A, %arg0 : i32
    %c0_i32 = arith.constant 0 : i32
    %c0_i32_1 = arith.constant 0 : i32
    return %add3A_0, %c0_i32 : i32, i32
  }
  func.func @transform_4(%arg0: i32) -> (i32, i32) {
    %c0_i32 = arith.constant 0 : i32
    %c0_i32_0 = arith.constant 0 : i32
    %c0_i32_1 = arith.constant 0 : i32
    return %c0_i32, %c0_i32_0 : i32, i32
  }
}

</mosaic_0001>

<sc_bundles>
// kernel: kernel.4.cloned.1.call-start
scs
__scs_entry_jumppad:
0x0: {  	(pc) =	sbr.rel $0x88, $3  }
0x1: {  	(tag) =	ssettag $0x0;
	lr =	simm.s32 $0x1  }
0x2: {  	[smem:$0x3FA0] =	sst lr;
	_ =	strace $0xD0000000  }
0x3: {  	_ = 	snop  }
0x4: {  	_ = 	snop  }
0x5: {  	_ = 	snop  }
0x6: {  	_ = 	snop  }
0x7: {  	_ = 	snop  }
__scs_overlays_trampoline_lowered:
0x8: {  	[smem:$0x3FAF] =	sst s0  }
0x9: {  	[smem:$0x3FB0] =	sst s1  }
0xa: {  	[smem:$0x3FB1] =	sst s2  }
0xb: {  	[smem:$0x3FB2] =	sst s3  }
0xc: {  	[smem:$0x3FB3] =	sst s4  }
0xd: {  	[smem:$0x3FB4] =	sst s5  }
0xe: {  	[smem:$0x3FB5] =	sst s6  }
0xf: {  	[smem:$0x3FB6] =	sst s7  }
0x10: {  	[smem:$0x3FB7] =	sst s8  }
0x11: {  	[smem:$0x3FB8] =	sst s9;
	s0 =	simm.s32 @!p0 $0x0  }
0x12: {  	s1 =	sld [smem:$0x3F9E];
	s0 =	simm.s32 @p0 $0x1  }
0x13: {  	[smem:$0x3FB9] =	sst s0;
	s0 =	simm.s32 @!p1 $0x0  }
0x14: {  	s2 =	sld [smem:$0x3F9D];
	s0 =	simm.s32 @p1 $0x1  }
0x15: {  	[smem:$0x3FBA] =	sst s0;
	s0 =	simm.s32 @!p2 $0x0  }
0x16: {  	s3 =	sld [smem:$0x3FDB];
	s0 =	simm.s32 @p2 $0x1  }
0x17: {  	s4 =	simm.s32 $0x1BF5;
	[smem:$0x3FBC] =	sst s0  }
0x18: {  	s0 =	sld [smem:$0x3F9F];
	_ =	swait.ge [sflag:s4], $0x0  }
0x19: {  	s7 =	sld [smem:$0x3FA0]  }
0x1a: {  	s8 =	sadd.s32 $0xFFFFE003, lr  }
0x1b: {  	s9 =	sadd.s32 $0xFFFFFEF7, lr;
	s5 =	simm.s32 $0xFFFFFFFF;
	p2 =	slt.u32 s8, $0xFFFFF086  }
0x1c: {  	p1 =	slt.u32 s9, $0xF7A;
	s5 =	simm.s32 @!p2 $0x0  }
0x1d: {  	s5 =	simm.s32 @p1 $0x1;
	p0 =	seq.s32 s7, s2  }
0x1e: {  	s7 =	smul.u32 @!p0 $0xF7A, s2;
	p2 =	seq.s32 @!p0 s5, $0x0  }
0x1f: {  	s9 =	smul.u32 $0xF7A, s1;
	s8 =	simm.s32 @!p0 $0x1BF5;
	p2 =	por !p2, p0  }
0x20: {  	[sflag:s8] =	ssyncset.s32 @!p0 $0xFFFFF086;
	s6 =	sadd.s32 @!p0 s3, s7;
	s7 =	simm.s32 @!p0 $0x108  }
0x21: {  	s3 =	sadd.s32 s3, s9;
	s6 =	sadd.s32 @!p0 $0x88, s6;
	s7 =	simm.s32 @p2 $0x1082  }
0x22: {  	[simem:s7], [sflag:s8] =	dma.local @!p0 [hbm:s6], $0xF7A  }
0x23: {  	s9 =	sor.u32 $0xD0000000, s2;
	s6 =	simm.s32 $0x108;
	_ =	swait.ge @!p0 [sflag:s8], $0x0  }
0x24: {  	s3 =	sadd.s32 $0x88, s3;
	s6 =	simm.s32 @!p1 $0x1082;
	[sflag:s4] =	ssyncset.s32 $0xFFFFF086  }
0x25: {  	[simem:s6], [sflag:s4] =	dma.local [hbm:s3], $0xF7A  }
0x26: {  	[smem:$0x3FA0] =	sst s1;
	(tag) =	ssettag s2;
	_ =	strace s9  }
0x27: {  	s1 =	sld [smem:$0x3FB0]  }
0x28: {  	s2 =	sld [smem:$0x3FB1]  }
0x29: {  	s4 =	sld [smem:$0x3FB3]  }
0x2a: {  	p0 =	seq.s32 s5, $0x0;
	s5 =	sld [smem:$0x3FB4]  }
0x2b: {  	s6 =	sld [smem:$0x3FB5]  }
0x2c: {  	s7 =	sld [smem:$0x3FB6]  }
0x2d: {  	s3 =	simm.s32 $0x108;
	s8 =	sld [smem:$0x3FB7]  }
0x2e: {  	s3 =	simm.s32 @!p0 $0x1082;
	s9 =	sld [smem:$0x3FB8]  }
0x2f: {  	lr =	sadd.s32 s0, s3;
	s0 =	sld [smem:$0x3FAF]  }
0x30: {  	s3 =	sld [smem:$0x3FB2]  }
0x31: {  	[smem:$0x3FBB] =	sst s10  }
0x32: {  	s10 =	sld [smem:$0x3FB9];
	_ =	sdelay $0x3  }
0x33: {  	p0 =	seq.s32 s10, $0x1;
	s10 =	sld [smem:$0x3FBB];
	_ =	sdelay $0x3  }
0x34: {  	[smem:$0x3FBB] =	sst s10  }
0x35: {  	s10 =	sld [smem:$0x3FBA];
	_ =	sdelay $0x3  }
0x36: {  	p1 =	seq.s32 s10, $0x1;
	s10 =	sld [smem:$0x3FBB];
	_ =	sdelay $0x3  }
0x37: {  	[smem:$0x3FBB] =	sst s10  }
0x38: {  	s10 =	sld [smem:$0x3FBC]  }
0x39: {  	_ = 	snop;
	(pc) =	sbr.ind lr, $3  }
0x3a: {  	_ = 	snop  }
0x3b: {  	_ = 	snop  }
0x3c: {  	p2 =	seq.s32 s10, $0x1;
	s10 =	sld [smem:$0x3FBB]  }
0x3d: {  	_ =	shalt  }
0x3e: {  	_ =	shalt  }
0x3f: {  	_ =	shalt  }
0x40: {  	_ =	shalt  }
0x41: {  	_ =	shalt  }
0x42: {  	_ =	shalt  }
0x43: {  	_ =	shalt  }
0x44: {  	_ =	shalt  }
0x45: {  	_ =	shalt  }
0x46: {  	_ =	shalt  }
0x47: {  	_ =	shalt  }
0x48: {  	_ =	shalt  }
0x49: {  	_ =	shalt  }
0x4a: {  	_ =	shalt  }
0x4b: {  	_ =	shalt  }
0x4c: {  	_ =	shalt  }
0x4d: {  	_ =	shalt  }
0x4e: {  	_ =	shalt  }
0x4f: {  	_ =	shalt  }
0x50: {  	_ =	shalt  }
0x51: {  	_ =	shalt  }
0x52: {  	_ =	shalt  }
0x53: {  	_ =	shalt  }
0x54: {  	_ =	shalt  }
0x55: {  	_ =	shalt  }
0x56: {  	_ =	shalt  }
0x57: {  	_ =	shalt  }
0x58: {  	_ =	shalt  }
0x59: {  	_ =	shalt  }
0x5a: {  	_ =	shalt  }
0x5b: {  	_ =	shalt  }
0x5c: {  	_ =	shalt  }
0x5d: {  	_ =	shalt  }
0x5e: {  	_ =	shalt  }
0x5f: {  	_ =	shalt  }
0x60: {  	_ =	shalt  }
0x61: {  	_ =	shalt  }
0x62: {  	_ =	shalt  }
0x63: {  	_ =	shalt  }
0x64: {  	_ =	shalt  }
0x65: {  	_ =	shalt  }
0x66: {  	_ =	shalt  }
0x67: {  	_ =	shalt  }
0x68: {  	_ =	shalt  }
0x69: {  	_ =	shalt  }
0x6a: {  	_ =	shalt  }
0x6b: {  	_ =	shalt  }
0x6c: {  	_ =	shalt  }
0x6d: {  	_ =	shalt  }
0x6e: {  	_ =	shalt  }
0x6f: {  	_ =	shalt  }
0x70: {  	_ =	shalt  }
0x71: {  	_ =	shalt  }
0x72: {  	_ =	shalt  }
0x73: {  	_ =	shalt  }
0x74: {  	_ =	shalt  }
0x75: {  	_ =	shalt  }
0x76: {  	_ =	shalt  }
0x77: {  	_ =	shalt  }
0x78: {  	_ =	shalt  }
0x79: {  	_ =	shalt  }
0x7a: {  	_ =	shalt  }
0x7b: {  	_ =	shalt  }
0x7c: {  	_ =	shalt  }
0x7d: {  	_ =	shalt  }
0x7e: {  	_ =	shalt  }
0x7f: {  	_ =	shalt  }
0x80: {  	_ =	shalt  }
0x81: {  	_ =	shalt  }
0x82: {  	_ =	shalt  }
0x83: {  	_ =	shalt  }
0x84: {  	_ =	shalt  }
0x85: {  	_ =	shalt  }
0x86: {  	_ =	shalt  }
0x87: {  	_ =	shalt  }
.Lfunc_end0:
.L_simem_size_0:
called_computation_lowered:
.L_overlay_start_0:
0x88: {  	s2 =	sld [smem:$0x3FD9]  }
0x89: {  	s3 =	sld [smem:$0x3FFE];
	_ =	sdelay $0x1  }
0x8a: {  	s1 =	srdreg.scid  }
0x8b: {  	s0 =	sand.u32 $0x1, s1  }
0x8c: {  	s17 =	sshll.u32 s0, $0xA;
	s2 =	sadd.s32 s3, s2  }
0x8d: {  	s2 =	sadd.s32 s2, s17  }
0x8e: {  	[smem:$0x3FC7] =	sst s2  }
0x8f: {  	_ = 	snop  }
0x90: {  	s2 =	sld [smem:$0x3FC9];
	(tm) =	ssettm $0x1  }
0x91: {  	s18 =	sld [smem:$0x3FFB];
	_ =	sdelay $0x3  }
0x92: {  	_ =	strace s18  }
0x93: {  	s3 =	sld [smem:$0x3FFC];
	_ =	sdelay $0x3  }
0x94: {  	_ =	strace s3  }
0x95: {  	s3 =	sld [smem:$0x3FFD];
	_ =	sdelay $0x3  }
0x96: {  	_ =	strace s3  }
0x97: {  	_ =	strace $0x8FFFFFFF  }
0x98: {  	s19 =	sld [smem:$0x3FDB];
	_ =	sdelay $0x1  }
0x99: {  	s4 =	simm.s32 $_scs_section_size  }
0x9a: {  	s5 =	simm.s32 $_size__tile_overlayer_lowered;
	s6 =	simm.s32 $_tile_overlayer_lowered  }
0x9b: {  	s22 =	simm.s32 $0x1BFF;
	s21 =	sshll.u32 s6, $0x1;
	s3 =	sadd.s32 s4, s19  }
0x9c: {  	s7 =	simm.s32 $0x0;
	s20 =	sshll.u32 s5, $0x1;
	s5 =	sadd.s32 s21, s3  }
0x9d: {  	[timem:s7], [sflag:s22] =	dma.local [hbm:s5], s20  }
0x9e: {  	_ =	swait.ge [sflag:s22], s20  }
0x9f: {  	s4 =	ssub.s32 $0x0, s20;
	[sflag:s22] =	ssyncset.done $0x0  }
0xa0: {  	[sflag:s22] =	ssyncadd.s32 s4;
	_ =	sdelay $0x1  }
0xa1: {  	s23 =	simm.s32 $0x1B8B  }
0xa2: {  	_ =	swait.ge [sflag:s23], $0x1  }
0xa3: {  	[sflag:s23] =	ssyncset.done $0x0  }
0xa4: {  	s25 =	simm.s32 $0x1B8E;
	s24 =	sld [smem:$0x3FFE];
	[sflag:s23] =	ssyncadd.s32 $0xFFFFFFFF  }
0xa5: {  	s26 =	simm.s32 $execute0_lowered;
	[smem:$0x3FD2] =	sst s25  }
0xa6: {  	s5 =	sshll.u32 s26, $0x1;
	_ =	strace $0x80000046;
	[dreg:$0x1] =	wrdreg $0xFFFFFFFF  }
0xa7: {  	s28 =	simm.s32 $_size_execute0_lowered;
	s3 =	sadd.s32 s3, s5;
	[dreg:$0x0] =	wrdreg $0x0  }
0xa8: {  	s5 =	sshll.u32 s28, $0x1;
	[dreg:$0x2] =	wrdreg s3  }
0xa9: {  	[dreg:$0x3] =	wrdreg s5  }
0xaa: {  	[dreg:$0x4] =	wrdreg $0xC0  }
0xab: {  	_ =	task [dreg:s7], $0x5FFFF  }
0xac: {  	[dreg:$0x1] =	wrdreg $0xFFFFFFFF  }
0xad: {  	[dreg:$0x0] =	wrdreg $0x60  }
0xae: {  	[dreg:$0x2] =	wrdreg s2  }
0xaf: {  	[dreg:$0x3] =	wrdreg s24  }
0xb0: {  	[dreg:$0x4] =	wrdreg $0x9  }
0xb1: {  	_ =	task.clear_ibuf [dreg:s7], $0x5FFFF;
	_ =	strace $0x90000046  }
0xb2: {  	s29 =	simm.s32 $0x9;
	_ =	strace $0x80000048  }
0xb3: {  	_ =	swait.ge [sflag:s29], $0x1  }
0xb4: {  	[sflag:s29] =	ssyncadd.s32 $0xFFFFFFFF  }
0xb5: {  	_ =	strace $0x90000048  }
0xb6: {  	_ =	sfence  }
0xb7: {  	s30 =	sld [smem:$0x0];
	_ =	sdelay $0x2  }
0xb8: {  	s31 =	sshll.u32 s1, $0xD;
	s1 =	sshrl.u32 s1, $0x2  }
0xb9: {  	s3 =	sand.u32 $0x4000, s31;
	s1 =	sadd.s32 s1, s30  }
0xba: {  	s0 =	sor.u32 s3, s0;
	s1 =	sshll.u32 s1, $0x11  }
0xbb: {  	s0 =	sor.u32 s1, s0  }
0xbc: {  	s0 =	sadd.s32 $0x8F2B, s0  }
0xbd: {  	[sflag:s0] =	ssyncadd.remote.s32 $0x1  }
0xbe: {  	_ =	sfence.sel $0xFFFF  }
0xbf: {  	[dreg:$0x0] =	wrdreg $0xFFFFFFFF;
	(pc) =	sbr.abs _section_cstart, $3  }
0xc0: {  	[dreg:$0x1] =	wrdreg $0xFFFFFFFF  }
0xc1: {  	_ =	task.clear_ibuf [dreg:s7], $0x2FFFF;
	_ =	strace $0x9FFFFFFF  }
0xc2: {  	(tm) =	ssettm $0x7FFFFFFF  }
0xc3: {  	_ =	shalt  }
tec
execute0_lowered:
.L_overlay_start_1:
0x0: {  	(tag) =	ssettag $0x1  }
0x1: {  	s2 =	rddreg [dreg:$0x0]  }
0x2: {  	s1 =	srdreg.scid;
	s0 =	stileid.u32  }
0x3: {  	s8 =	rddreg [dreg:$0x1];
	s12 =	simm.s32 $0x2;
	s13 =	simm.s32 $0x10000  }
0x4: {  	s14 =	simm.s32 $0x3;
	s4 =	sand.u32 $0x1, s1;
	s3 =	sshll.u32 s0, $0x1  }
0x5: {  	s15 =	simm.s32 $0x0;
	s1 =	rddreg [dreg:$0x2];
	s7 =	sor.u32 s4, s3  }
0x6: {  	s3 =	simm.s32 $0x0;
	s4 =	ssub.s32 $0x2, s4;
	s5 =	smul.u32 $0xC000, s7  }
.Ltmp0:
0x7: {  	[smem:$0x7FF] =	sst s3;
	s6 =	sshrl.u32 s4, $0x1;
	(pc) =	sbr.rel .LBB2_1-.Ltmp0, $4  }
0x8: {  	s9 =	smul.u32 $0x180, s7;
	s11 =	sshll.u32 s7, $0x1;
	_ =	strace $0x80000047  }
0x9: {  	s10 =	ssub.s32 s4, s6;
	s8 =	sadd.s32 s8, s11;
	s11 =	simm.s32 $0x1  }
0xa: {  	s4 =	sadd.s32 s2, s5;
	s6 =	sor.u32 $0x40, s9;
	s7 =	sor.u32 $0x60, s9  }
0xb: {  	s9 =	smax.u32 s10, $0x1;
	s10 =	simm.s32 $0x8000;
	s5 =	sadd.s32 $0x1000, s4  }
.LBB2_8:
0xc: {  	v4 =	vadd.f32 v26, v27;
	_ =	sdelay $0x1  }
0xd: {  	v4 =	vadd.f32 v25, v4;
	_ =	sdelay $0x1  }
0xe: {  	v4 =	vadd.f32 v24, v4;
	_ =	sdelay $0x1  }
0xf: {  	v3 =	vadd.f32 v3, v4;
	_ =	sdelay $0x1  }
0x10: {  	v2 =	vadd.f32 v2, v3;
	_ =	sdelay $0x1  }
0x11: {  	v1 =	vadd.f32 v1, v2;
	_ =	sdelay $0x1  }
0x12: {  	s15 =	sadd.s32 $0x1, s15;
	v0 =	vadd.f32 v0, v1  }
0x13: {  	p0 =	sne.s32 s15, s9  }
.Ltmp1:
0x14: {  	[tilespmem:$0x10000] =	vst v0;
	(pc) =	sbr.rel @!p0 .LBB2_9-.Ltmp1, $4  }
0x15: {  	[hbm4b:s8+s3] =	stream.linear.scatter [tilespmem:s13], [sflag:$0x3], $0x10, $0x38;
	[tilespmem:$0x10080] =	vst v63  }
0x16: {  	_ =	swait.ge [sflag:s14], $0x10  }
0x17: {  	[sflag:s14] =	ssyncset.done $0x0  }
0x18: {  	[sflag:s14] =	ssyncadd.s32 $0xFFFFFFF0  }
.LBB2_1:
0x19: {  	[tilespmem:s3], [sflag:$0x1] =	stream.linear.gather [hbm4b:s4+s3], $0x8000, $0x38;
	v0 =	vimm.f32 $0.0e+00;
	v1 =	vimm.f32 $0.0e+00;
	[tilespmem:$0x10080] =	vst v63  }
0x1a: {  	v2 =	vimm.f32 $0.0e+00;
	v3 =	vimm.f32 $0.0e+00;
	v24 =	vimm.f32 $0.0e+00;
	s16 =	simm.s32 $0x0  }
0x1b: {  	v25 =	vimm.f32 $0.0e+00;
	v26 =	vimm.f32 $0.0e+00;
	v27 =	vimm.f32 $0.0e+00;
	[tilespmem:s10], [sflag:$0x2] =	stream.linear.gather [hbm4b:s5+s3], $0x8000, $0x38;
	[tilespmem:$0x10080] =	vst v63  }
.LBB2_2:
0x1c: {  	_ =	swait.ge [sflag:s11], $0x8000;
	s17 =	simm.s32 $0x0;
	s18 =	simm.s32 $0x0  }
0x1d: {  	[sflag:s11] =	ssyncset.done $0x0;
	s18 =	sand.u32 $0x6000, s18;
	s19 =	sand.u32 $0x380, s17  }
0x1e: {  	[sflag:s11] =	ssyncadd.s32 $0xFFFF8000;
	s18 =	sor.u32 s19, s18  }
0x1f: {  	v4 =	vld [tilespmem:s18+$0x1800]  }
0x20: {  	v5 =	vld [tilespmem:s18+$0x1810]  }
0x21: {  	v6 =	vld [tilespmem:s18+$0x1820]  }
0x22: {  	v7 =	vld [tilespmem:s18+$0x1830]  }
0x23: {  	v8 =	vld [tilespmem:s18+$0x1840]  }
0x24: {  	v9 =	vld [tilespmem:s18+$0x1850]  }
0x25: {  	v10 =	vld [tilespmem:s18+$0x1860]  }
0x26: {  	v11 =	vld [tilespmem:s18+$0x1870]  }
0x27: {  	v12 =	vld [tilespmem:s18+$0x1400]  }
0x28: {  	v13 =	vld [tilespmem:s18+$0x1410]  }
0x29: {  	v19 =	vld [tilespmem:s18+$0x1420]  }
0x2a: {  	v22 =	vld [tilespmem:s18+$0x1430]  }
0x2b: {  	v23 =	vld [tilespmem:s18+$0x1440]  }
0x2c: {  	v28 =	vld [tilespmem:s18+$0x1450]  }
0x2d: {  	v29 =	vld [tilespmem:s18+$0x1000]  }
0x2e: {  	v30 =	vld [tilespmem:s18+$0x1010]  }
0x2f: {  	v31 =	vld [tilespmem:s18+$0x1020]  }
0x30: {  	v32 =	vld [tilespmem:s18+$0x1030]  }
0x31: {  	v33 =	vld [tilespmem:s18+$0x1040]  }
0x32: {  	v34 =	vld [tilespmem:s18+$0x1050]  }
0x33: {  	v35 =	vld [tilespmem:s18+$0xC00]  }
0x34: {  	v36 =	vld [tilespmem:s18+$0xC10]  }
0x35: {  	v37 =	vld [tilespmem:s18+$0xC20]  }
0x36: {  	v38 =	vld [tilespmem:s18+$0xC30]  }
0x37: {  	v39 =	vld [tilespmem:s18+$0xC40]  }
0x38: {  	v40 =	vld [tilespmem:s18+$0xC50]  }
0x39: {  	v41 =	vld [tilespmem:s18+$0x800]  }
0x3a: {  	v42 =	vld [tilespmem:s18+$0x810];
	v17 =	vmax.f32 v4, $0.0e+00;
	v16 =	vmax.f32 v5, $0.0e+00;
	v14 =	vmax.f32 v6, $0.0e+00  }
0x3b: {  	v43 =	vld [tilespmem:s18+$0x400];
	v15 =	vmax.f32 v7, $0.0e+00;
	v4 =	vmax.f32 v8, $0.0e+00;
	v5 =	vmax.f32 v9, $0.0e+00  }
0x3c: {  	v45 =	vld [tilespmem:s18+$0x0];
	v18 =	vmax.f32 v12, $0.0e+00;
	v6 =	vmax.f32 v10, $0.0e+00;
	v7 =	vmax.f32 v11, $0.0e+00  }
0x3d: {  	v46 =	vld [tilespmem:s18+$0x10];
	v21 =	vmax.f32 v13, $0.0e+00;
	v20 =	vmax.f32 v19, $0.0e+00;
	v19 =	vmax.f32 v22, $0.0e+00  }
0x3e: {  	v44 =	vld [tilespmem:s18+$0x410];
	v47 =	vmax.f32 v29, $0.0e+00;
	v8 =	vmax.f32 v23, $0.0e+00;
	v9 =	vmax.f32 v28, $0.0e+00  }
0x3f: {  	v28 =	vld [tilespmem:s18+$0x20];
	v48 =	vmax.f32 v30, $0.0e+00;
	v23 =	vmax.f32 v31, $0.0e+00;
	v22 =	vmax.f32 v32, $0.0e+00  }
0x40: {  	v29 =	vld [tilespmem:s18+$0x30];
	v30 =	vmax.f32 v35, $0.0e+00;
	v10 =	vmax.f32 v33, $0.0e+00;
	v11 =	vmax.f32 v34, $0.0e+00  }
0x41: {  	v49 =	vld [tilespmem:s18+$0x430];
	v32 =	vmax.f32 v36, $0.0e+00;
	v33 =	vmax.f32 v37, $0.0e+00;
	v55 =	vmax.f32 v45, $0.0e+00  }
0x42: {  	v31 =	vld [tilespmem:s18+$0x420];
	v35 =	vmax.f32 v38, $0.0e+00;
	v56 =	vmax.f32 v46, $0.0e+00;
	v27 =	vadd.f32 v55, v27  }
0x43: {  	v54 =	vld [tilespmem:s18+$0x820];
	v50 =	vmax.f32 v41, $0.0e+00;
	v51 =	vmax.f32 v43, $0.0e+00;
	v26 =	vadd.f32 v56, v26  }
0x44: {  	v57 =	vld [tilespmem:s18+$0x830];
	v12 =	vmax.f32 v39, $0.0e+00;
	v52 =	vmax.f32 v44, $0.0e+00;
	v27 =	vadd.f32 v51, v27  }
0x45: {  	v58 =	vld [tilespmem:s18+$0x840];
	v26 =	vadd.f32 v52, v26;
	v28 =	vmax.f32 v28, $0.0e+00;
	v29 =	vmax.f32 v29, $0.0e+00  }
0x46: {  	v59 =	vld [tilespmem:s18+$0x440];
	v53 =	vmax.f32 v42, $0.0e+00;
	v25 =	vadd.f32 v28, v25;
	v24 =	vadd.f32 v29, v24  }
0x47: {  	s30 =	sand.u32 $0x7, s17;
	v60 =	vld [tilespmem:s18+$0x450];
	v27 =	vadd.f32 v50, v27;
	v28 =	vmax.f32 v31, $0.0e+00;
	v31 =	vmax.f32 v49, $0.0e+00  }
0x48: {  	s19 =	sshll.u32 s30, $0x7;
	v61 =	vmax.f32 v54, $0.0e+00;
	v29 =	vld [tilespmem:s18+$0x850];
	v28 =	vadd.f32 v28, v25;
	v31 =	vadd.f32 v31, v24  }
0x49: {  	s22 =	sadd.s32 $0x0, s19;
	v62 =	vmax.f32 v57, $0.0e+00;
	v26 =	vadd.f32 v53, v26;
	v63 =	vadd.f32 v30, v27;
	v24 =	vld [tilespmem:s18+$0x40]  }
0x4a: {  	s19 =	sor.u32 $0x1C00, s22;
	v13 =	vmax.f32 v40, $0.0e+00;
	v25 =	vld [tilespmem:s18+$0x50];
	v38 =	vadd.f32 v61, v28;
	v31 =	vadd.f32 v62, v31  }
0x4b: {  	s20 =	sor.u32 $0x1C10, s22;
	v32 =	vadd.f32 v32, v26;
	v26 =	vld [tilespmem:s19+$0x0];
	v30 =	vmax.f32 v59, $0.0e+00;
	v36 =	vadd.f32 v47, v63  }
0x4c: {  	s21 =	simm.s32 $0x0;
	s31 =	sor.u32 $0x1C20, s22;
	v27 =	vld [tilespmem:s20+$0x0];
	v28 =	vmax.f32 v58, $0.0e+00;
	v34 =	vadd.f32 v33, v38;
	v33 =	vadd.f32 v35, v31  }
0x4d: {  	s23 =	sor.u32 $0x1C30, s22;
	s19 =	simm.s32 $0xFFFF8000;
	s20 =	simm.s32 $0x80;
	v29 =	vmax.f32 v29, $0.0e+00;
	v31 =	vmax.f32 v60, $0.0e+00;
	v35 =	vadd.f32 v48, v32;
	v32 =	vld [tilespmem:s31+$0x0]  }
.LBB2_3:
0x4e: {  	p0 =	sne.s32 s20, $0xF80;
	v37 =	vmax.f32 v24, $0.0e+00;
	v23 =	vadd.f32 v23, v34;
	v22 =	vadd.f32 v22, v33;
	v33 =	vld [tilespmem:s23+$0x0]  }
0x4f: {  	v34 =	vmax.f32 v25, $0.0e+00;
	v38 =	vld [tilespmem:s18+$0x60];
	v18 =	vadd.f32 v18, v36;
	v21 =	vadd.f32 v21, v35  }
0x50: {  	v35 =	vld [tilespmem:s18+$0x70];
	v20 =	vadd.f32 v20, v23;
	v19 =	vadd.f32 v19, v22;
	v22 =	vmax.f32 v26, $0.0e+00  }
0x51: {  	v23 =	vld [tilespmem:s18+$0x460];
	v17 =	vadd.f32 v17, v18;
	v16 =	vadd.f32 v16, v21;
	v18 =	vmax.f32 v27, $0.0e+00  }
0x52: {  	v21 =	vld [tilespmem:s18+$0x470];
	v14 =	vadd.f32 v14, v20;
	v15 =	vadd.f32 v15, v19;
	v19 =	vmax.f32 v32, $0.0e+00  }
0x53: {  	v20 =	vld [tilespmem:s18+$0x860];
	v24 =	vadd.f32 v22, v17;
	v25 =	vadd.f32 v18, v16;
	v16 =	vmax.f32 v33, $0.0e+00  }
0x54: {  	v17 =	vmax.f32 v38, $0.0e+00;
	v18 =	vld [tilespmem:s18+$0x870];
	v26 =	vadd.f32 v19, v14;
	v27 =	vadd.f32 v16, v15  }
0x55: {  	v3 =	vadd.f32 v37, v3;
	v2 =	vadd.f32 v34, v2;
	v14 =	vmax.f32 v35, $0.0e+00;
	v15 =	vld [tilespmem:s18+$0xC60]  }
0x56: {  	v1 =	vadd.f32 v17, v1;
	v0 =	vadd.f32 v14, v0;
	v14 =	vmax.f32 v23, $0.0e+00;
	v16 =	vld [tilespmem:s18+$0xC70]  }
0x57: {  	v3 =	vadd.f32 v30, v3;
	v2 =	vadd.f32 v31, v2;
	v17 =	vmax.f32 v21, $0.0e+00;
	v19 =	vld [tilespmem:s18+$0x1060]  }
0x58: {  	v1 =	vadd.f32 v14, v1;
	v0 =	vadd.f32 v17, v0;
	v14 =	vmax.f32 v20, $0.0e+00;
	v17 =	vld [tilespmem:s18+$0x1070]  }
0x59: {  	v3 =	vadd.f32 v28, v3;
	v2 =	vadd.f32 v29, v2;
	v18 =	vmax.f32 v18, $0.0e+00;
	v20 =	vld [tilespmem:s18+$0x1460]  }
0x5a: {  	v1 =	vadd.f32 v14, v1;
	v0 =	vadd.f32 v18, v0;
	v14 =	vmax.f32 v15, $0.0e+00;
	v15 =	vld [tilespmem:s18+$0x1470];
	s18 =	sor.u32 $0x1C40, s22  }
0x5b: {  	s19 =	sadd.s32 $0x400, s19;
	v3 =	vadd.f32 v12, v3;
	v2 =	vadd.f32 v13, v2;
	v12 =	vmax.f32 v16, $0.0e+00;
	v13 =	vld [tilespmem:s18+$0x0];
	s18 =	sor.u32 $0x1C50, s22  }
0x5c: {  	s23 =	sadd.s32 $0x8000, s19;
	v1 =	vadd.f32 v14, v1;
	v0 =	vadd.f32 v12, v0;
	v12 =	vmax.f32 v19, $0.0e+00;
	v14 =	vld [tilespmem:s18+$0x0];
	s18 =	sor.u32 $0x1C60, s22  }
0x5d: {  	s24 =	sand.u32 $0x380, s20;
	s23 =	sand.u32 $0x6000, s23;
	v3 =	vadd.f32 v10, v3;
	v2 =	vadd.f32 v11, v2;
	s22 =	sor.u32 $0x1C70, s22;
	v10 =	vmax.f32 v17, $0.0e+00;
	v11 =	vld [tilespmem:s18+$0x0]  }
0x5e: {  	s18 =	sor.u32 s24, s23;
	v1 =	vadd.f32 v12, v1;
	v0 =	vadd.f32 v10, v0;
	v10 =	vmax.f32 v20, $0.0e+00;
	v12 =	vld [tilespmem:s22+$0x0]  }
0x5f: {  	v3 =	vadd.f32 v8, v3;
	v2 =	vadd.f32 v9, v2;
	v16 =	vld [tilespmem:s18+$0x1800];
	v8 =	vmax.f32 v15, $0.0e+00  }
0x60: {  	v1 =	vadd.f32 v10, v1;
	v9 =	vld [tilespmem:s18+$0x1810];
	v0 =	vadd.f32 v8, v0;
	v8 =	vmax.f32 v13, $0.0e+00  }
0x61: {  	v3 =	vadd.f32 v4, v3;
	v2 =	vadd.f32 v5, v2;
	v10 =	vld [tilespmem:s18+$0x1820];
	v4 =	vmax.f32 v14, $0.0e+00  }
0x62: {  	v1 =	vadd.f32 v6, v1;
	v5 =	vld [tilespmem:s18+$0x1830];
	v0 =	vadd.f32 v7, v0;
	v6 =	vmax.f32 v11, $0.0e+00  }
0x63: {  	v3 =	vadd.f32 v8, v3;
	v2 =	vadd.f32 v4, v2;
	v7 =	vld [tilespmem:s18+$0x1840];
	v4 =	vmax.f32 v12, $0.0e+00  }
0x64: {  	v1 =	vadd.f32 v6, v1;
	v8 =	vld [tilespmem:s18+$0x1850];
	v0 =	vadd.f32 v4, v0  }
0x65: {  	v6 =	vld [tilespmem:s18+$0x1860]  }
0x66: {  	v11 =	vld [tilespmem:s18+$0x1870]  }
0x67: {  	v12 =	vld [tilespmem:s18+$0x1400]  }
0x68: {  	v13 =	vld [tilespmem:s18+$0x1410]  }
0x69: {  	v19 =	vld [tilespmem:s18+$0x1420]  }
0x6a: {  	v22 =	vld [tilespmem:s18+$0x1430]  }
0x6b: {  	v23 =	vld [tilespmem:s18+$0x1440]  }
0x6c: {  	v28 =	vld [tilespmem:s18+$0x1450]  }
0x6d: {  	v29 =	vld [tilespmem:s18+$0x1000]  }
0x6e: {  	v30 =	vld [tilespmem:s18+$0x1010]  }
0x6f: {  	v31 =	vld [tilespmem:s18+$0x1020]  }
0x70: {  	v32 =	vld [tilespmem:s18+$0x1030]  }
0x71: {  	v33 =	vld [tilespmem:s18+$0x1040]  }
0x72: {  	v34 =	vld [tilespmem:s18+$0x1050]  }
0x73: {  	v35 =	vld [tilespmem:s18+$0xC00]  }
0x74: {  	v36 =	vld [tilespmem:s18+$0xC10]  }
0x75: {  	v37 =	vld [tilespmem:s18+$0xC20]  }
0x76: {  	v38 =	vld [tilespmem:s18+$0xC30]  }
0x77: {  	v39 =	vld [tilespmem:s18+$0xC40]  }
0x78: {  	v40 =	vld [tilespmem:s18+$0xC50]  }
0x79: {  	v41 =	vld [tilespmem:s18+$0x800]  }
0x7a: {  	v17 =	vmax.f32 v16, $0.0e+00;
	v16 =	vmax.f32 v9, $0.0e+00;
	v14 =	vmax.f32 v10, $0.0e+00;
	v42 =	vld [tilespmem:s18+$0x810]  }
0x7b: {  	v15 =	vmax.f32 v5, $0.0e+00;
	v4 =	vmax.f32 v7, $0.0e+00;
	v5 =	vmax.f32 v8, $0.0e+00;
	v43 =	vld [tilespmem:s18+$0x400]  }
0x7c: {  	v6 =	vmax.f32 v6, $0.0e+00;
	v7 =	vmax.f32 v11, $0.0e+00;
	v18 =	vmax.f32 v12, $0.0e+00;
	v44 =	vld [tilespmem:s18+$0x410]  }
0x7d: {  	v21 =	vmax.f32 v13, $0.0e+00;
	v20 =	vmax.f32 v19, $0.0e+00;
	v19 =	vmax.f32 v22, $0.0e+00;
	v45 =	vld [tilespmem:s18+$0x0]  }
0x7e: {  	v8 =	vmax.f32 v23, $0.0e+00;
	v9 =	vmax.f32 v28, $0.0e+00;
	v47 =	vmax.f32 v29, $0.0e+00;
	v46 =	vld [tilespmem:s18+$0x10]  }
0x7f: {  	v48 =	vmax.f32 v30, $0.0e+00;
	v23 =	vmax.f32 v31, $0.0e+00;
	v22 =	vmax.f32 v32, $0.0e+00;
	v28 =	vld [tilespmem:s18+$0x20]  }
0x80: {  	v10 =	vmax.f32 v33, $0.0e+00;
	v11 =	vmax.f32 v34, $0.0e+00;
	v30 =	vmax.f32 v35, $0.0e+00;
	v29 =	vld [tilespmem:s18+$0x30]  }
0x81: {  	v32 =	vmax.f32 v36, $0.0e+00;
	v33 =	vmax.f32 v37, $0.0e+00;
	v35 =	vmax.f32 v38, $0.0e+00;
	v31 =	vld [tilespmem:s18+$0x420]  }
0x82: {  	v12 =	vmax.f32 v39, $0.0e+00;
	v13 =	vmax.f32 v40, $0.0e+00;
	v36 =	vmax.f32 v41, $0.0e+00;
	v34 =	vld [tilespmem:s18+$0x430]  }
0x83: {  	v39 =	vmax.f32 v42, $0.0e+00;
	v37 =	vmax.f32 v43, $0.0e+00;
	v38 =	vmax.f32 v44, $0.0e+00;
	v40 =	vld [tilespmem:s18+$0x820]  }
0x84: {  	v41 =	vmax.f32 v45, $0.0e+00;
	v42 =	vmax.f32 v46, $0.0e+00;
	v28 =	vmax.f32 v28, $0.0e+00;
	v43 =	vld [tilespmem:s18+$0x830]  }
0x85: {  	v24 =	vadd.f32 v41, v24;
	v25 =	vadd.f32 v42, v25;
	v29 =	vmax.f32 v29, $0.0e+00;
	v41 =	vld [tilespmem:s18+$0x840]  }
0x86: {  	s17 =	sadd.s32 $0x1, s17;
	v26 =	vadd.f32 v28, v26;
	v27 =	vadd.f32 v29, v27;
	v28 =	vmax.f32 v31, $0.0e+00;
	v29 =	vld [tilespmem:s18+$0x850]  }
0x87: {  	s22 =	sand.u32 $0x7, s17;
	v31 =	vadd.f32 v37, v24;
	v25 =	vadd.f32 v38, v25;
	v24 =	vmax.f32 v34, $0.0e+00;
	v34 =	vld [tilespmem:s18+$0x440]  }
0x88: {  	s21 =	sadd.s32 $0x400, s21;
	s22 =	sshll.u32 s22, $0x7;
	v26 =	vadd.f32 v28, v26;
	v27 =	vadd.f32 v24, v27;
	v37 =	vld [tilespmem:s18+$0x450];
	v28 =	vmax.f32 v40, $0.0e+00  }
.Ltmp2:
0x89: {  	s22 =	sadd.s32 s22, s21;
	v31 =	vadd.f32 v36, v31;
	v36 =	vadd.f32 v39, v25;
	v24 =	vld [tilespmem:s18+$0x40];
	v38 =	vmax.f32 v43, $0.0e+00;
	(pc) =	sbr.rel @p0 .LBB2_3-.Ltmp2, $4  }
0x8a: {  	s23 =	sor.u32 $0x1C00, s22;
	v39 =	vadd.f32 v28, v26;
	v25 =	vld [tilespmem:s18+$0x50];
	v27 =	vadd.f32 v38, v27;
	v28 =	vmax.f32 v41, $0.0e+00  }
0x8b: {  	v38 =	vadd.f32 v30, v31;
	v32 =	vadd.f32 v32, v36;
	v29 =	vmax.f32 v29, $0.0e+00;
	v26 =	vld [tilespmem:s23+$0x0];
	s23 =	sor.u32 $0x1C10, s22  }
0x8c: {  	v30 =	vmax.f32 v34, $0.0e+00;
	v34 =	vadd.f32 v33, v39;
	v33 =	vadd.f32 v35, v27;
	v27 =	vld [tilespmem:s23+$0x0];
	s23 =	sor.u32 $0x1C20, s22  }
0x8d: {  	s20 =	sadd.s32 $0x80, s20;
	v36 =	vadd.f32 v47, v38;
	v35 =	vadd.f32 v48, v32;
	v31 =	vmax.f32 v37, $0.0e+00;
	v32 =	vld [tilespmem:s23+$0x0];
	s23 =	sor.u32 $0x1C30, s22  }
0x8e: {  	v37 =	vld [tilespmem:s23+$0x0]  }
0x8f: {  	v38 =	vld [tilespmem:s18+$0x60]  }
0x90: {  	v39 =	vld [tilespmem:s18+$0x70]  }
0x91: {  	v40 =	vld [tilespmem:s18+$0x460]  }
0x92: {  	v41 =	vld [tilespmem:s18+$0x470]  }
0x93: {  	v42 =	vld [tilespmem:s18+$0x860]  }
0x94: {  	v43 =	vld [tilespmem:s18+$0x870]  }
0x95: {  	v44 =	vld [tilespmem:s18+$0xC60]  }
0x96: {  	v45 =	vld [tilespmem:s18+$0xC70]  }
0x97: {  	v46 =	vld [tilespmem:s18+$0x1060]  }
0x98: {  	v47 =	vld [tilespmem:s18+$0x1070]  }
0x99: {  	v48 =	vld [tilespmem:s18+$0x1460];
	s17 =	sor.u32 $0x1C40, s22  }
0x9a: {  	p0 =	seq.s32 s16, $0x5;
	v50 =	vld [tilespmem:s17+$0x0];
	s17 =	sshll.u32 s16, $0x6  }
0x9b: {  	v49 =	vld [tilespmem:s18+$0x1470];
	s25 =	sor.u32 $0x1C50, s22;
	s19 =	sadd.s32 @!p0 s17, s6  }
0x9c: {  	s26 =	sor.u32 $0x1C60, s22;
	v51 =	vld [tilespmem:s25+$0x0];
	s19 =	sshll.u32 @!p0 s19, $0x7  }
0x9d: {  	s28 =	sor.u32 $0x1C70, s22;
	v52 =	vld [tilespmem:s26+$0x0];
	s18 =	sadd.s32 @!p0 s2, s19;
	s19 =	simm.s32 @!p0 $0x0  }
0x9e: {  	v53 =	vld [tilespmem:s28+$0x0];
	[tilespmem:s19], [sflag:$0x1] =	stream.linear.gather @!p0 [hbm4b:s18+s19], $0x8000, $0x38  }
0x9f: {  	s29 =	simm.s32 $0x0;
	s19 =	simm.s32 $0x0;
	_ =	swait.ge [sflag:s12], $0x8000  }
0xa0: {  	s18 =	sand.u32 $0x6000, s29;
	s20 =	sand.u32 $0x380, s19;
	[sflag:s12] =	ssyncset.done $0x0  }
0xa1: {  	s18 =	sor.u32 s20, s18;
	[sflag:s12] =	ssyncadd.s32 $0xFFFF8000  }
0xa2: {  	v54 =	vld [tilespmem:s18+$0x9800]  }
0xa3: {  	v55 =	vld [tilespmem:s18+$0x9810]  }
0xa4: {  	v23 =	vadd.f32 v23, v34;
	v62 =	vld [tilespmem:s18+$0x9820]  }
0xa5: {  	v22 =	vadd.f32 v22, v33;
	v18 =	vadd.f32 v18, v36;
	v33 =	vld [tilespmem:s18+$0x9830]  }
0xa6: {  	v21 =	vadd.f32 v21, v35;
	v20 =	vadd.f32 v20, v23;
	v23 =	vld [tilespmem:s18+$0x9840]  }
0xa7: {  	v19 =	vadd.f32 v19, v22;
	v17 =	vadd.f32 v17, v18;
	v18 =	vld [tilespmem:s18+$0x9850]  }
0xa8: {  	v16 =	vadd.f32 v16, v21;
	v21 =	vmax.f32 v26, $0.0e+00;
	v14 =	vadd.f32 v14, v20;
	v20 =	vld [tilespmem:s18+$0x9860]  }
0xa9: {  	v15 =	vadd.f32 v15, v19;
	v19 =	vmax.f32 v27, $0.0e+00;
	v35 =	vadd.f32 v21, v17;
	v21 =	vld [tilespmem:s18+$0x9870]  }
0xaa: {  	v17 =	vmax.f32 v32, $0.0e+00;
	v19 =	vadd.f32 v19, v16;
	v16 =	vmax.f32 v37, $0.0e+00;
	v22 =	vld [tilespmem:s18+$0x9400]  }
0xab: {  	v32 =	vadd.f32 v17, v14;
	v14 =	vmax.f32 v24, $0.0e+00;
	v24 =	vadd.f32 v16, v15;
	v26 =	vld [tilespmem:s18+$0x9410]  }
0xac: {  	v15 =	vmax.f32 v25, $0.0e+00;
	v16 =	vmax.f32 v38, $0.0e+00;
	v3 =	vadd.f32 v14, v3;
	v27 =	vld [tilespmem:s18+$0x9420]  }
0xad: {  	v2 =	vadd.f32 v15, v2;
	v14 =	vmax.f32 v39, $0.0e+00;
	v1 =	vadd.f32 v16, v1;
	v63 =	vld [tilespmem:s18+$0x9430]  }
0xae: {  	v0 =	vadd.f32 v14, v0;
	v3 =	vadd.f32 v30, v3;
	v30 =	vld [tilespmem:s18+$0x9440]  }
0xaf: {  	v15 =	vmax.f32 v41, $0.0e+00;
	v14 =	vmax.f32 v40, $0.0e+00;
	v2 =	vadd.f32 v31, v2;
	v31 =	vld [tilespmem:s18+$0x9450]  }
0xb0: {  	v1 =	vadd.f32 v14, v1;
	v14 =	vmax.f32 v42, $0.0e+00;
	v37 =	vld [tilespmem:s18+$0x9020];
	v0 =	vadd.f32 v15, v0  }
0xb1: {  	v60 =	vld [tilespmem:s18+$0x8800];
	v15 =	vmax.f32 v43, $0.0e+00;
	v3 =	vadd.f32 v28, v3;
	v2 =	vadd.f32 v29, v2  }
0xb2: {  	v61 =	vld [tilespmem:s18+$0x8810];
	v1 =	vadd.f32 v14, v1;
	v14 =	vmax.f32 v44, $0.0e+00;
	v0 =	vadd.f32 v15, v0  }
0xb3: {  	v38 =	vld [tilespmem:s18+$0x9040];
	v3 =	vadd.f32 v12, v3;
	v2 =	vadd.f32 v13, v2;
	v12 =	vmax.f32 v45, $0.0e+00  }
0xb4: {  	v39 =	vld [tilespmem:s18+$0x8C10];
	v1 =	vadd.f32 v14, v1;
	v0 =	vadd.f32 v12, v0  }
0xb5: {  	v28 =	vld [tilespmem:s18+$0x9000];
	v12 =	vmax.f32 v46, $0.0e+00;
	v16 =	vmax.f32 v54, $0.0e+00;
	v17 =	vmax.f32 v55, $0.0e+00  }
0xb6: {  	v29 =	vld [tilespmem:s18+$0x9010];
	v14 =	vmax.f32 v62, $0.0e+00;
	v15 =	vmax.f32 v33, $0.0e+00;
	v25 =	vmax.f32 v26, $0.0e+00  }
0xb7: {  	v56 =	vld [tilespmem:s18+$0x8C20];
	v26 =	vmax.f32 v37, $0.0e+00;
	v54 =	vmax.f32 v60, $0.0e+00;
	v55 =	vmax.f32 v61, $0.0e+00  }
0xb8: {  	v57 =	vld [tilespmem:s18+$0x8C30];
	v3 =	vadd.f32 v10, v3;
	v2 =	vadd.f32 v11, v2;
	v10 =	vmax.f32 v47, $0.0e+00  }
0xb9: {  	v58 =	vld [tilespmem:s18+$0x8C40];
	v1 =	vadd.f32 v12, v1;
	v0 =	vadd.f32 v10, v0;
	v10 =	vmax.f32 v48, $0.0e+00  }
0xba: {  	v59 =	vld [tilespmem:s18+$0x8C50];
	v48 =	vmax.f32 v28, $0.0e+00;
	v3 =	vadd.f32 v8, v3;
	v2 =	vadd.f32 v9, v2  }
0xbb: {  	v13 =	vld [tilespmem:s18+$0x9030];
	v8 =	vmax.f32 v49, $0.0e+00;
	v1 =	vadd.f32 v10, v1;
	v49 =	vmax.f32 v29, $0.0e+00  }
0xbc: {  	v62 =	vld [tilespmem:s18+$0x8400];
	v10 =	vmax.f32 v38, $0.0e+00;
	v0 =	vadd.f32 v8, v0;
	v8 =	vmax.f32 v50, $0.0e+00  }
0xbd: {  	v11 =	vld [tilespmem:s18+$0x9050];
	v50 =	vmax.f32 v39, $0.0e+00;
	v3 =	vadd.f32 v4, v3;
	v2 =	vadd.f32 v5, v2  }
0xbe: {  	v12 =	vld [tilespmem:s18+$0x8C00];
	v4 =	vmax.f32 v51, $0.0e+00;
	v1 =	vadd.f32 v6, v1;
	v5 =	vmax.f32 v52, $0.0e+00  }
0xbf: {  	v28 =	vld [tilespmem:s18+$0x8020];
	v51 =	vmax.f32 v56, $0.0e+00;
	v0 =	vadd.f32 v7, v0;
	v6 =	vadd.f32 v8, v3  }
0xc0: {  	v29 =	vld [tilespmem:s18+$0x8030];
	v7 =	vadd.f32 v4, v2;
	v2 =	vmax.f32 v53, $0.0e+00;
	v8 =	vadd.f32 v5, v1  }
0xc1: {  	v1 =	vmax.f32 v18, $0.0e+00;
	v18 =	vmax.f32 v22, $0.0e+00;
	v22 =	vmax.f32 v63, $0.0e+00;
	v63 =	vld [tilespmem:s18+$0x8010]  }
0xc2: {  	v52 =	vmax.f32 v57, $0.0e+00;
	v9 =	vadd.f32 v2, v0;
	v2 =	vmax.f32 v20, $0.0e+00;
	v20 =	vld [tilespmem:s18+$0x8000]  }
0xc3: {  	v34 =	vmax.f32 v62, $0.0e+00;
	v11 =	vmax.f32 v11, $0.0e+00;
	v5 =	vmax.f32 v31, $0.0e+00;
	v31 =	vld [tilespmem:s18+$0x8420]  }
0xc4: {  	v3 =	vmax.f32 v21, $0.0e+00;
	v21 =	vmax.f32 v27, $0.0e+00;
	v0 =	vmax.f32 v23, $0.0e+00;
	v23 =	vld [tilespmem:s18+$0x8410]  }
0xc5: {  	v4 =	vmax.f32 v30, $0.0e+00;
	v27 =	vmax.f32 v13, $0.0e+00;
	v30 =	vmax.f32 v12, $0.0e+00;
	v53 =	vld [tilespmem:s18+$0x8430]  }
0xc6: {  	v57 =	vld [tilespmem:s18+$0x8830];
	v12 =	vmax.f32 v58, $0.0e+00;
	v13 =	vmax.f32 v59, $0.0e+00;
	v28 =	vmax.f32 v28, $0.0e+00  }
0xc7: {  	v56 =	vld [tilespmem:s18+$0x8820];
	v28 =	vadd.f32 v28, v32;
	v33 =	vmax.f32 v63, $0.0e+00;
	v20 =	vmax.f32 v20, $0.0e+00  }
0xc8: {  	v58 =	vld [tilespmem:s18+$0x8840];
	v29 =	vmax.f32 v29, $0.0e+00;
	v19 =	vadd.f32 v33, v19;
	v20 =	vadd.f32 v20, v35  }
0xc9: {  	v24 =	vadd.f32 v29, v24;
	v29 =	vmax.f32 v31, $0.0e+00;
	v31 =	vld [tilespmem:s18+$0x8850];
	v23 =	vmax.f32 v23, $0.0e+00  }
0xca: {  	s30 =	sand.u32 $0x7, s19;
	v60 =	vld [tilespmem:s18+$0x8450];
	v23 =	vadd.f32 v23, v19;
	v19 =	vmax.f32 v53, $0.0e+00;
	v20 =	vadd.f32 v34, v20  }
0xcb: {  	s20 =	sshll.u32 s30, $0x7;
	v59 =	vld [tilespmem:s18+$0x8440];
	v61 =	vmax.f32 v57, $0.0e+00;
	v28 =	vadd.f32 v29, v28;
	v24 =	vadd.f32 v19, v24  }
0xcc: {  	s23 =	sadd.s32 $0x0, s20;
	v29 =	vmax.f32 v56, $0.0e+00;
	v19 =	vld [tilespmem:s18+$0x8040];
	v23 =	vadd.f32 v55, v23;
	v34 =	vadd.f32 v54, v20  }
0xcd: {  	s20 =	sor.u32 $0x1C00, s23;
	v62 =	vadd.f32 v29, v28;
	v28 =	vmax.f32 v58, $0.0e+00;
	v20 =	vld [tilespmem:s18+$0x8050];
	v24 =	vadd.f32 v61, v24  }
0xce: {  	s21 =	sor.u32 $0x1C10, s23;
	v29 =	vmax.f32 v31, $0.0e+00;
	v37 =	vadd.f32 v50, v23;
	v23 =	vld [tilespmem:s20+$0x8000];
	v63 =	vadd.f32 v30, v34  }
0xcf: {  	s22 =	simm.s32 $0x0;
	s31 =	sor.u32 $0x1C20, s23;
	v33 =	vadd.f32 v51, v62;
	v31 =	vmax.f32 v60, $0.0e+00;
	v34 =	vadd.f32 v52, v24;
	v24 =	vld [tilespmem:s21+$0x8000]  }
0xd0: {  	s24 =	sor.u32 $0x1C30, s23;
	v32 =	vld [tilespmem:s31+$0x8000];
	s20 =	simm.s32 $0xFFFF8000;
	v30 =	vmax.f32 v59, $0.0e+00;
	s21 =	simm.s32 $0x80;
	v36 =	vadd.f32 v49, v37;
	v35 =	vadd.f32 v48, v63  }
.LBB2_5:
0xd1: {  	p1 =	sne.s32 s21, $0xF80;
	v37 =	vmax.f32 v19, $0.0e+00;
	v19 =	vadd.f32 v26, v33;
	v26 =	vadd.f32 v27, v34;
	v27 =	vld [tilespmem:s24+$0x8000]  }
0xd2: {  	v33 =	vmax.f32 v20, $0.0e+00;
	v34 =	vld [tilespmem:s18+$0x8060];
	v18 =	vadd.f32 v18, v35;
	v20 =	vadd.f32 v25, v36  }
0xd3: {  	v25 =	vld [tilespmem:s18+$0x8070];
	v19 =	vadd.f32 v21, v19;
	v21 =	vadd.f32 v22, v26;
	v22 =	vmax.f32 v23, $0.0e+00  }
0xd4: {  	v26 =	vld [tilespmem:s18+$0x8460];
	v16 =	vadd.f32 v16, v18;
	v17 =	vadd.f32 v17, v20;
	v18 =	vmax.f32 v24, $0.0e+00  }
0xd5: {  	v35 =	vld [tilespmem:s18+$0x8470];
	v14 =	vadd.f32 v14, v19;
	v15 =	vadd.f32 v15, v21;
	v21 =	vmax.f32 v32, $0.0e+00  }
0xd6: {  	v32 =	vld [tilespmem:s18+$0x8860];
	v19 =	vadd.f32 v22, v16;
	v20 =	vadd.f32 v18, v17;
	v16 =	vmax.f32 v27, $0.0e+00  }
0xd7: {  	v17 =	vmax.f32 v34, $0.0e+00;
	v18 =	vld [tilespmem:s18+$0x8870];
	v23 =	vadd.f32 v21, v14;
	v24 =	vadd.f32 v16, v15  }
0xd8: {  	v6 =	vadd.f32 v37, v6;
	v7 =	vadd.f32 v33, v7;
	v14 =	vmax.f32 v25, $0.0e+00;
	v15 =	vld [tilespmem:s18+$0x8C60]  }
0xd9: {  	v8 =	vadd.f32 v17, v8;
	v9 =	vadd.f32 v14, v9;
	v14 =	vmax.f32 v26, $0.0e+00;
	v16 =	vld [tilespmem:s18+$0x8C70]  }
0xda: {  	v6 =	vadd.f32 v30, v6;
	v7 =	vadd.f32 v31, v7;
	v17 =	vmax.f32 v35, $0.0e+00;
	v21 =	vld [tilespmem:s18+$0x9060]  }
0xdb: {  	v8 =	vadd.f32 v14, v8;
	v9 =	vadd.f32 v17, v9;
	v14 =	vmax.f32 v32, $0.0e+00;
	v17 =	vld [tilespmem:s18+$0x9070]  }
0xdc: {  	v6 =	vadd.f32 v28, v6;
	v7 =	vadd.f32 v29, v7;
	v18 =	vmax.f32 v18, $0.0e+00;
	v22 =	vld [tilespmem:s18+$0x9460]  }
0xdd: {  	v8 =	vadd.f32 v14, v8;
	v9 =	vadd.f32 v18, v9;
	v14 =	vmax.f32 v15, $0.0e+00;
	v15 =	vld [tilespmem:s18+$0x9470];
	s18 =	sor.u32 $0x1C40, s23  }
0xde: {  	s20 =	sadd.s32 $0x400, s20;
	v6 =	vadd.f32 v12, v6;
	v7 =	vadd.f32 v13, v7;
	v12 =	vmax.f32 v16, $0.0e+00;
	v13 =	vld [tilespmem:s18+$0x8000];
	s18 =	sor.u32 $0x1C50, s23  }
0xdf: {  	s24 =	sadd.s32 $0x8000, s20;
	v8 =	vadd.f32 v14, v8;
	v9 =	vadd.f32 v12, v9;
	v12 =	vmax.f32 v21, $0.0e+00;
	v14 =	vld [tilespmem:s18+$0x8000];
	s18 =	sor.u32 $0x1C60, s23  }
0xe0: {  	s25 =	sand.u32 $0x380, s21;
	s24 =	sand.u32 $0x6000, s24;
	v6 =	vadd.f32 v10, v6;
	v7 =	vadd.f32 v11, v7;
	s23 =	sor.u32 $0x1C70, s23;
	v10 =	vmax.f32 v17, $0.0e+00;
	v11 =	vld [tilespmem:s18+$0x8000]  }
0xe1: {  	s18 =	sor.u32 s25, s24;
	v8 =	vadd.f32 v12, v8;
	v9 =	vadd.f32 v10, v9;
	v10 =	vmax.f32 v22, $0.0e+00;
	v12 =	vld [tilespmem:s23+$0x8000]  }
0xe2: {  	v4 =	vadd.f32 v4, v6;
	v5 =	vadd.f32 v5, v7;
	v16 =	vld [tilespmem:s18+$0x9800];
	v6 =	vmax.f32 v15, $0.0e+00  }
0xe3: {  	v7 =	vadd.f32 v10, v8;
	v15 =	vld [tilespmem:s18+$0x9810];
	v6 =	vadd.f32 v6, v9;
	v8 =	vmax.f32 v13, $0.0e+00  }
0xe4: {  	v0 =	vadd.f32 v0, v4;
	v1 =	vadd.f32 v1, v5;
	v10 =	vld [tilespmem:s18+$0x9820];
	v4 =	vmax.f32 v14, $0.0e+00  }
0xe5: {  	v2 =	vadd.f32 v2, v7;
	v5 =	vld [tilespmem:s18+$0x9830];
	v3 =	vadd.f32 v3, v6;
	v9 =	vmax.f32 v11, $0.0e+00  }
0xe6: {  	v6 =	vadd.f32 v8, v0;
	v7 =	vadd.f32 v4, v1;
	v11 =	vld [tilespmem:s18+$0x9840];
	v0 =	vmax.f32 v12, $0.0e+00  }
0xe7: {  	v8 =	vadd.f32 v9, v2;
	v1 =	vld [tilespmem:s18+$0x9850];
	v9 =	vadd.f32 v0, v3  }
0xe8: {  	v2 =	vld [tilespmem:s18+$0x9860]  }
0xe9: {  	v3 =	vld [tilespmem:s18+$0x9870]  }
0xea: {  	v4 =	vld [tilespmem:s18+$0x9400]  }
0xeb: {  	v12 =	vld [tilespmem:s18+$0x9410]  }
0xec: {  	v13 =	vld [tilespmem:s18+$0x9420]  }
0xed: {  	v22 =	vld [tilespmem:s18+$0x9430]  }
0xee: {  	v26 =	vld [tilespmem:s18+$0x9440]  }
0xef: {  	v27 =	vld [tilespmem:s18+$0x9450]  }
0xf0: {  	v28 =	vld [tilespmem:s18+$0x9000]  }
0xf1: {  	v29 =	vld [tilespmem:s18+$0x9010]  }
0xf2: {  	v30 =	vld [tilespmem:s18+$0x9020]  }
0xf3: {  	v31 =	vld [tilespmem:s18+$0x9030]  }
0xf4: {  	v32 =	vld [tilespmem:s18+$0x9040]  }
0xf5: {  	v33 =	vld [tilespmem:s18+$0x9050]  }
0xf6: {  	v34 =	vld [tilespmem:s18+$0x8C00]  }
0xf7: {  	v35 =	vld [tilespmem:s18+$0x8C10]  }
0xf8: {  	v36 =	vld [tilespmem:s18+$0x8C20]  }
0xf9: {  	v37 =	vld [tilespmem:s18+$0x8C30]  }
0xfa: {  	v38 =	vld [tilespmem:s18+$0x8C40]  }
0xfb: {  	v39 =	vld [tilespmem:s18+$0x8C50]  }
0xfc: {  	v40 =	vld [tilespmem:s18+$0x8800]  }
0xfd: {  	v16 =	vmax.f32 v16, $0.0e+00;
	v17 =	vmax.f32 v15, $0.0e+00;
	v14 =	vmax.f32 v10, $0.0e+00;
	v41 =	vld [tilespmem:s18+$0x8810]  }
0xfe: {  	v15 =	vmax.f32 v5, $0.0e+00;
	v0 =	vmax.f32 v11, $0.0e+00;
	v1 =	vmax.f32 v1, $0.0e+00;
	v42 =	vld [tilespmem:s18+$0x8400]  }
0xff: {  	v2 =	vmax.f32 v2, $0.0e+00;
	v3 =	vmax.f32 v3, $0.0e+00;
	v18 =	vmax.f32 v4, $0.0e+00;
	v43 =	vld [tilespmem:s18+$0x8410]  }
0x100: {  	v25 =	vmax.f32 v12, $0.0e+00;
	v21 =	vmax.f32 v13, $0.0e+00;
	v22 =	vmax.f32 v22, $0.0e+00;
	v44 =	vld [tilespmem:s18+$0x8000]  }
0x101: {  	v4 =	vmax.f32 v26, $0.0e+00;
	v5 =	vmax.f32 v27, $0.0e+00;
	v46 =	vmax.f32 v28, $0.0e+00;
	v45 =	vld [tilespmem:s18+$0x8010]  }
0x102: {  	v47 =	vmax.f32 v29, $0.0e+00;
	v26 =	vmax.f32 v30, $0.0e+00;
	v27 =	vmax.f32 v31, $0.0e+00;
	v28 =	vld [tilespmem:s18+$0x8020]  }
0x103: {  	v10 =	vmax.f32 v32, $0.0e+00;
	v11 =	vmax.f32 v33, $0.0e+00;
	v30 =	vmax.f32 v34, $0.0e+00;
	v29 =	vld [tilespmem:s18+$0x8030]  }
0x104: {  	v32 =	vmax.f32 v35, $0.0e+00;
	v33 =	vmax.f32 v36, $0.0e+00;
	v34 =	vmax.f32 v37, $0.0e+00;
	v31 =	vld [tilespmem:s18+$0x8420]  }
0x105: {  	v12 =	vmax.f32 v38, $0.0e+00;
	v13 =	vmax.f32 v39, $0.0e+00;
	v36 =	vmax.f32 v40, $0.0e+00;
	v35 =	vld [tilespmem:s18+$0x8430]  }
0x106: {  	v39 =	vmax.f32 v41, $0.0e+00;
	v37 =	vmax.f32 v42, $0.0e+00;
	v38 =	vmax.f32 v43, $0.0e+00;
	v40 =	vld [tilespmem:s18+$0x8820]  }
0x107: {  	v41 =	vmax.f32 v44, $0.0e+00;
	v42 =	vmax.f32 v45, $0.0e+00;
	v28 =	vmax.f32 v28, $0.0e+00;
	v43 =	vld [tilespmem:s18+$0x8830]  }
0x108: {  	v19 =	vadd.f32 v41, v19;
	v20 =	vadd.f32 v42, v20;
	v29 =	vmax.f32 v29, $0.0e+00;
	v41 =	vld [tilespmem:s18+$0x8840]  }
0x109: {  	s19 =	sadd.s32 $0x1, s19;
	v23 =	vadd.f32 v28, v23;
	v24 =	vadd.f32 v29, v24;
	v28 =	vmax.f32 v31, $0.0e+00;
	v29 =	vld [tilespmem:s18+$0x8850]  }
0x10a: {  	s23 =	sand.u32 $0x7, s19;
	v31 =	vadd.f32 v37, v19;
	v20 =	vadd.f32 v38, v20;
	v19 =	vmax.f32 v35, $0.0e+00;
	v35 =	vld [tilespmem:s18+$0x8440]  }
0x10b: {  	s22 =	sadd.s32 $0x400, s22;
	s23 =	sshll.u32 s23, $0x7;
	v23 =	vadd.f32 v28, v23;
	v24 =	vadd.f32 v19, v24;
	v37 =	vld [tilespmem:s18+$0x8450];
	v28 =	vmax.f32 v40, $0.0e+00  }
.Ltmp3:
0x10c: {  	s23 =	sadd.s32 s23, s22;
	v31 =	vadd.f32 v36, v31;
	v36 =	vadd.f32 v39, v20;
	v19 =	vld [tilespmem:s18+$0x8040];
	v38 =	vmax.f32 v43, $0.0e+00;
	(pc) =	sbr.rel @p1 .LBB2_5-.Ltmp3, $4  }
0x10d: {  	s24 =	sor.u32 $0x1C00, s23;
	v39 =	vadd.f32 v28, v23;
	v20 =	vld [tilespmem:s18+$0x8050];
	v24 =	vadd.f32 v38, v24;
	v28 =	vmax.f32 v41, $0.0e+00  }
0x10e: {  	v38 =	vadd.f32 v30, v31;
	v32 =	vadd.f32 v32, v36;
	v29 =	vmax.f32 v29, $0.0e+00;
	v23 =	vld [tilespmem:s24+$0x8000];
	s24 =	sor.u32 $0x1C10, s23  }
0x10f: {  	v33 =	vadd.f32 v33, v39;
	v30 =	vmax.f32 v35, $0.0e+00;
	v34 =	vadd.f32 v34, v24;
	v24 =	vld [tilespmem:s24+$0x8000];
	s24 =	sor.u32 $0x1C20, s23  }
0x110: {  	s21 =	sadd.s32 $0x80, s21;
	v35 =	vadd.f32 v46, v38;
	v36 =	vadd.f32 v47, v32;
	v31 =	vmax.f32 v37, $0.0e+00;
	v32 =	vld [tilespmem:s24+$0x8000];
	s24 =	sor.u32 $0x1C30, s23  }
0x111: {  	v26 =	vadd.f32 v26, v33;
	v27 =	vadd.f32 v27, v34  }
0x112: {  	v19 =	vmax.f32 v19, $0.0e+00;
	v58 =	vld [tilespmem:s24+$0x8000];
	v18 =	vadd.f32 v18, v35;
	v25 =	vadd.f32 v25, v36  }
0x113: {  	v59 =	vld [tilespmem:s18+$0x8060];
	v20 =	vmax.f32 v20, $0.0e+00;
	v6 =	vadd.f32 v19, v6;
	v21 =	vadd.f32 v21, v26  }
0x114: {  	v60 =	vld [tilespmem:s18+$0x8070];
	v22 =	vadd.f32 v22, v27;
	v7 =	vadd.f32 v20, v7  }
0x115: {  	v61 =	vld [tilespmem:s18+$0x8460];
	v16 =	vadd.f32 v16, v18;
	v17 =	vadd.f32 v17, v25  }
0x116: {  	v37 =	vld [tilespmem:s18+$0x8470];
	v23 =	vmax.f32 v23, $0.0e+00;
	v6 =	vadd.f32 v30, v6;
	v14 =	vadd.f32 v14, v21  }
0x117: {  	v40 =	vld [tilespmem:s18+$0x8870];
	v62 =	vmax.f32 v24, $0.0e+00;
	v15 =	vadd.f32 v15, v22;
	v7 =	vadd.f32 v31, v7  }
0x118: {  	v63 =	vmax.f32 v32, $0.0e+00;
	v32 =	vld [tilespmem:s18+$0x8860];
	v27 =	vadd.f32 v23, v16;
	v26 =	vadd.f32 v62, v17  }
0x119: {  	v42 =	vld [tilespmem:s18+$0x8C60];
	v38 =	vmax.f32 v58, $0.0e+00;
	v39 =	vmax.f32 v59, $0.0e+00;
	v41 =	vmax.f32 v60, $0.0e+00  }
0x11a: {  	v44 =	vld [tilespmem:s18+$0x8C70];
	v43 =	vmax.f32 v61, $0.0e+00;
	v8 =	vadd.f32 v39, v8;
	v9 =	vadd.f32 v41, v9  }
0x11b: {  	v46 =	vld [tilespmem:s18+$0x9060];
	v45 =	vmax.f32 v37, $0.0e+00;
	v6 =	vadd.f32 v28, v6;
	v25 =	vadd.f32 v63, v14  }
0x11c: {  	v48 =	vld [tilespmem:s18+$0x9070];
	v18 =	vmax.f32 v40, $0.0e+00;
	v8 =	vadd.f32 v43, v8;
	v9 =	vadd.f32 v45, v9  }
0x11d: {  	v49 =	vld [tilespmem:s18+$0x9460];
	v24 =	vadd.f32 v38, v15;
	v7 =	vadd.f32 v29, v7;
	v47 =	vmax.f32 v32, $0.0e+00  }
0x11e: {  	v51 =	vld [tilespmem:s18+$0x9470];
	s28 =	sor.u32 $0x1C40, s23;
	v50 =	vmax.f32 v42, $0.0e+00;
	v8 =	vadd.f32 v47, v8;
	v9 =	vadd.f32 v18, v9  }
0x11f: {  	s30 =	sor.u32 $0x1C60, s23;
	v53 =	vld [tilespmem:s28+$0x8000];
	v52 =	vmax.f32 v44, $0.0e+00;
	v6 =	vadd.f32 v12, v6;
	v7 =	vadd.f32 v13, v7  }
0x120: {  	s29 =	sor.u32 $0x1C50, s23;
	v57 =	vld [tilespmem:s30+$0x8000];
	v54 =	vmax.f32 v46, $0.0e+00;
	v8 =	vadd.f32 v50, v8;
	v9 =	vadd.f32 v52, v9  }
0x121: {  	s31 =	sor.u32 $0x1C70, s23;
	v55 =	vld [tilespmem:s29+$0x8000];
	v56 =	vmax.f32 v48, $0.0e+00;
	v6 =	vadd.f32 v10, v6;
	v7 =	vadd.f32 v11, v7  }
0x122: {  	v58 =	vmax.f32 v49, $0.0e+00;
	v59 =	vld [tilespmem:s31+$0x8000];
	v8 =	vadd.f32 v54, v8;
	v9 =	vadd.f32 v56, v9  }
0x123: {  	v60 =	vmax.f32 v51, $0.0e+00;
	v4 =	vadd.f32 v4, v6;
	v5 =	vadd.f32 v5, v7  }
.Ltmp4:
0x124: {  	v62 =	vmax.f32 v53, $0.0e+00;
	v61 =	vadd.f32 v58, v8;
	v6 =	vadd.f32 v60, v9;
	(pc) =	sbr.rel @p0 .LBB2_8-.Ltmp4, $4  }
0x125: {  	v63 =	vmax.f32 v57, $0.0e+00;
	v0 =	vadd.f32 v0, v4;
	v1 =	vadd.f32 v1, v5  }
0x126: {  	v4 =	vmax.f32 v55, $0.0e+00;
	v5 =	vadd.f32 v2, v61;
	v6 =	vadd.f32 v3, v6  }
0x127: {  	v3 =	vadd.f32 v62, v0;
	v2 =	vadd.f32 v4, v1;
	v0 =	vmax.f32 v59, $0.0e+00  }
0x128: {  	v1 =	vadd.f32 v63, v5;
	v0 =	vadd.f32 v0, v6  }
.Ltmp5:
0x129: {  	(pc) =	sbr.rel .LBB2_2-.Ltmp5, $4  }
0x12a: {  	s17 =	sadd.s32 s17, s7  }
0x12b: {  	s17 =	sshll.u32 s17, $0x7  }
0x12c: {  	s16 =	sadd.s32 $0x1, s16;
	s17 =	sadd.s32 s2, s17  }
0x12d: {  	[tilespmem:s10], [sflag:$0x2] =	stream.linear.gather [hbm4b:s17+s3], $0x8000, $0x38;
	[tilespmem:$0x10080] =	vst v63  }
.LBB2_9:
0x12e: {  	_ =	sfence.sel $0x180000  }
0x12f: {  	[bflag:$0x0] =	sbarrier.arrive $0xFFFF  }
0x130: {  	p0 =	sne.s32 s0, $0x0;
	_ =	strace $0x90000047  }
0x131: {  	s0 =	sadd.s32 @!p0 $0x100000, s1;
	[bflag:$0x2] =	sbarrier.arrive $0xFFFF  }
0x132: {  	[sflag:s0] =	ssyncadd.tile.s32 @!p0 $0x1;
	_ =	shalt  }
.Lfunc_end2:
_tile_overlayer_lowered:
.L_overlay_start_2:
0x133: {  	(tag) =	ssettag $0x2  }
0x134: {  	s0 =	rddreg [dreg:$0x0];
	s2 =	stileid.u32  }
0x135: {  	s1 =	rddreg [dreg:$0x1];
	p0 =	sne.s32 s2, $0x0  }
0x136: {  	s3 =	rddreg [dreg:$0x2];
	[bflag:$0x3] =	sbarrier.arrive $0xFFFF;
	s2 =	simm.s32 @!p0 $0x1C03  }
0x137: {  	[timem:s3], [sflag:s2] =	dma.local @!p0 [hbm:s0], s1  }
0x138: {  	s0 =	simm.s32 @!p0 $0x3  }
0x139: {  	_ =	swait.ge @!p0 [sflag:s0], s1  }
0x13a: {  	s1 =	ssub.s32 @!p0 $0x0, s1;
	[sflag:s0] =	ssyncset.done @!p0 $0x0  }
0x13b: {  	[sflag:s0] =	ssyncadd.s32 @!p0 s1  }
0x13c: {  	[bflag:$0x3] =	sbarrier.arrive $0xFFFF  }
0x13d: {  	_ =	shalt  }

</sc_bundles>
